<compile_context>
chip_gen: v7x
topology: tpu7x:2x2x1
jax: 0.10.2.dev20260603
libtpu: 0.0.44.dev20260713+nightly
codegen_flags: <defaults>
</compile_context>

<pallas_src>
import jax
import jax.numpy as jnp
from jax import lax
from jax.experimental import pallas as pl
from jax.experimental.pallas import tpu as pltpu
from jax.experimental.pallas import tpu_sc as plsc

_N = 10000
_D = 128
_H = _D // 2
_E = 300000
_LANES = 16
_DEGW = 8
_NTILES = 16
_K = 128
_NB = 147
_EPT = _NB * _K
_R = 10240
_RPT = _R // _NTILES



def _matmul_body(x_ref, w_ref, o_ref):
    o_ref[...] = jnp.dot(x_ref[...], w_ref[...],
                         preferred_element_type=jnp.float32)


def _project(x_user, w_user):
    return pl.pallas_call(
        _matmul_body,
        out_shape=jax.ShapeDtypeStruct((_N, _D), jnp.float32),
    )(x_user, w_user)



def _sc_body(xu0, xu1, xi0, xi1, src_ui, dst_ui, src_iu, dst_iu,
             zrow, zdeg, ones_hbm,
             sum_ui0, sum_ui1, deg_ui, sum_iu0, sum_iu1, deg_iu,
             idx_s, idx_d, rows_v, ones_v, acc_sh, deg_sh, gsem, ssem, dsem):
    c = lax.axis_index("c")
    s = lax.axis_index("s")
    r0 = s * _RPT

    def run(tab0, tab1, src_hbm, dst_hbm, sum0_hbm, sum1_hbm, deg_hbm):
        pltpu.sync_copy(src_hbm.at[s], idx_s)
        pltpu.sync_copy(dst_hbm.at[s], idx_d)
        pltpu.sync_copy(ones_hbm, ones_v)
        pltpu.sync_copy(zrow.at[pl.ds(r0, _RPT)], acc_sh.at[pl.ds(r0, _RPT)])
        pltpu.sync_copy(zdeg.at[pl.ds(r0, _RPT)], deg_sh.at[pl.ds(r0, _RPT)])
        plsc.subcore_barrier()

        def pipeline(tab, with_deg):
            pltpu.async_copy(tab.at[idx_s.at[0]], rows_v.at[0], gsem)

            def step(j, carry):
                b = j % 2
                nb = 1 - b
                pltpu.make_async_copy(
                    tab.at[idx_s.at[j]], rows_v.at[b], gsem).wait()
                @pl.when(j >= 1)
                def _():
                    pltpu.make_async_copy(
                        rows_v.at[nb], acc_sh.at[idx_d.at[j]], ssem).wait()

                @pl.when(j + 1 < _NB)
                def _():
                    pltpu.async_copy(
                        tab.at[idx_s.at[j + 1]], rows_v.at[nb], gsem)

                pltpu.async_copy(
                    rows_v.at[b], acc_sh.at[idx_d.at[j]], ssem, add=True)
                if with_deg:
                    pltpu.async_copy(ones_v, deg_sh.at[idx_d.at[j]],
                                     dsem, add=True)
                return carry

            lax.fori_loop(0, _NB, step, 0)
            pltpu.make_async_copy(
                rows_v.at[(_NB - 1) % 2],
                acc_sh.at[idx_d.at[_NB - 1]], ssem).wait()
            if with_deg:
                def drain(j, carry):
                    pltpu.make_async_copy(
                        ones_v, deg_sh.at[idx_d.at[0]], dsem).wait()
                    return carry
                lax.fori_loop(0, _NB, drain, 0)

        pipeline(tab0, True)
        plsc.subcore_barrier()
        pltpu.sync_copy(acc_sh.at[pl.ds(r0, _RPT)], sum0_hbm.at[pl.ds(r0, _RPT)])
        pltpu.sync_copy(deg_sh.at[pl.ds(r0, _RPT)], deg_hbm.at[pl.ds(r0, _RPT)])
        pltpu.sync_copy(zrow.at[pl.ds(r0, _RPT)], acc_sh.at[pl.ds(r0, _RPT)])
        plsc.subcore_barrier()

        pipeline(tab1, False)
        plsc.subcore_barrier()
        pltpu.sync_copy(acc_sh.at[pl.ds(r0, _RPT)], sum1_hbm.at[pl.ds(r0, _RPT)])

    @pl.when(c == 0)
    def _():
        run(xu0, xu1, src_ui, dst_ui, sum_ui0, sum_ui1, deg_ui)

    @pl.when(c == 1)
    def _():
        run(xi0, xi1, src_iu, dst_iu, sum_iu0, sum_iu1, deg_iu)


def _aggregate(xu0, xu1, xi0, xi1, src_ui, dst_ui, src_iu, dst_iu):
    zrow = jnp.zeros((_R, _H), jnp.float32)
    zdeg = jnp.zeros((_R, _DEGW), jnp.float32)
    ones = jnp.ones((_K, _DEGW), jnp.float32)
    mesh = plsc.VectorSubcoreMesh(core_axis_name="c", subcore_axis_name="s")
    f = pl.kernel(
        _sc_body,
        out_type=[
            jax.ShapeDtypeStruct((_R, _H), jnp.float32),
            jax.ShapeDtypeStruct((_R, _H), jnp.float32),
            jax.ShapeDtypeStruct((_R, _DEGW), jnp.float32),
            jax.ShapeDtypeStruct((_R, _H), jnp.float32),
            jax.ShapeDtypeStruct((_R, _H), jnp.float32),
            jax.ShapeDtypeStruct((_R, _DEGW), jnp.float32),
        ],
        mesh=mesh,
        compiler_params=pltpu.CompilerParams(use_tc_tiling_on_sc=False),
        scratch_types=[
            pltpu.VMEM((_NB, _K), jnp.int32),
            pltpu.VMEM((_NB, _K), jnp.int32),
            pltpu.VMEM((2, _K, _H), jnp.float32),
            pltpu.VMEM((_K, _DEGW), jnp.float32),
            pltpu.VMEM_SHARED((_R, _H), jnp.float32),
            pltpu.VMEM_SHARED((_R, _DEGW), jnp.float32),
            pltpu.SemaphoreType.DMA,
            pltpu.SemaphoreType.DMA,
            pltpu.SemaphoreType.DMA,
        ],
    )
    return f(xu0, xu1, xi0, xi1, src_ui, dst_ui, src_iu, dst_iu,
             zrow, zdeg, ones)



def _div_body(sum0_ref, sum1_ref, deg_ref, out_ref, degout_ref):
    deg = jnp.maximum(deg_ref[...], 1.0)
    inv = 1.0 / deg[:, 0:1]
    out_ref[:, :_H] = sum0_ref[...] * inv
    out_ref[:, _H:] = sum1_ref[...] * inv
    degout_ref[...] = deg


_BLK = 1000


def _normalize(sum0, sum1, deg_r):
    return pl.pallas_call(
        _div_body,
        grid=(_N // _BLK,),
        in_specs=[
            pl.BlockSpec((_BLK, _H), lambda i: (i, 0)),
            pl.BlockSpec((_BLK, _H), lambda i: (i, 0)),
            pl.BlockSpec((_BLK, _DEGW), lambda i: (i, 0)),
        ],
        out_specs=[
            pl.BlockSpec((_BLK, _D), lambda i: (i, 0)),
            pl.BlockSpec((_BLK, _DEGW), lambda i: (i, 0)),
        ],
        out_shape=[
            jax.ShapeDtypeStruct((_N, _D), jnp.float32),
            jax.ShapeDtypeStruct((_N, _DEGW), jnp.float32),
        ],
    )(sum0, sum1, deg_r)



def _prep_indices(edge_index):
    pad = _NTILES * _EPT - _E
    src = jnp.concatenate([edge_index[0], jnp.zeros((pad,), jnp.int32)])
    dst = jnp.concatenate([edge_index[1], jnp.full((pad,), _N, jnp.int32)])
    return (src.reshape(_NTILES, _NB, _K), dst.reshape(_NTILES, _NB, _K))


def kernel(x_user, x_item, edge_index_ui, edge_index_iu, W_user):
    xu = _project(x_user, W_user)
    xu0 = jnp.copy(xu[:, :_H])
    xu1 = jnp.copy(xu[:, _H:])
    xi0 = jnp.copy(x_item[:, :_H])
    xi1 = jnp.copy(x_item[:, _H:])
    src_ui, dst_ui = _prep_indices(edge_index_ui)
    src_iu, dst_iu = _prep_indices(edge_index_iu)
    sum_ui0, sum_ui1, deg2_ui, sum_iu0, sum_iu1, deg2_iu = _aggregate(
        xu0, xu1, xi0, xi1, src_ui, dst_ui, src_iu, dst_iu)
    out_ui, degc_ui = _normalize(sum_ui0, sum_ui1, deg2_ui)
    out_iu, degc_iu = _normalize(sum_iu0, sum_iu1, deg2_iu)
    return (out_ui, xu, degc_ui[:, 0], out_iu, x_item, degc_iu[:, 0])

# --- scband reference (transcript-rebuilt; emitter-appended) ---
"""Pipeline reference for scband-rel-kdadapter-60284160966709 (READ-ONLY COPY).

The authoritative reference and input builder live on the scoring server;
editing this copy changes nothing except your own understanding.
"""

import jax
import jax.numpy as jnp
import numpy as np

N_USER = 10000
N_ITEM = 10000
E = 300000
D_USER = 256
D_ITEM = 128
D_REL = 128


def setup_inputs(seed: int = 0) -> dict:
    key = jax.random.key(seed)
    k1, k2, k3, k4, k5 = jax.random.split(key, 5)
    x_user = jax.random.normal(k1, (N_USER, D_USER), dtype=jnp.float32)
    x_item = jax.random.normal(k2, (N_ITEM, D_ITEM), dtype=jnp.float32)
    edge_index_ui = jax.random.randint(k3, (2, E), 0, N_USER, dtype=jnp.int32)
    edge_index_iu = jax.random.randint(k4, (2, E), 0, N_ITEM, dtype=jnp.int32)
    # nn.Linear(256, 128, bias=False) for 'user'; 'item' dim==d_rel -> Identity
    W_user = jax.random.normal(k5, (D_USER, D_REL), dtype=jnp.float32) * (1.0 / np.sqrt(D_USER))
    return {"x_user": x_user, "x_item": x_item, "edge_index_ui": edge_index_ui, "edge_index_iu": edge_index_iu, "W_user": W_user}


def _rel(x_src, edge_index, num_dst):
    src = edge_index[0]
    dst = edge_index[1]
    ones = jnp.ones((edge_index.shape[1],), dtype=jnp.float32)
    deg = jax.ops.segment_sum(ones, dst, num_segments=num_dst)
    deg = jnp.clip(deg, 1.0)
    # A_norm.matmul(x_src): norm_val = 1/deg[dst_edge]; row-normalized mean aggregation
    msg = x_src[src] / deg[dst][:, None]
    out = jax.ops.segment_sum(msg, dst, num_segments=num_dst)
    return out, deg


def reference(x_user, x_item, edge_index_ui, edge_index_iu, W_user):
    # project node features: user 256->128 via Linear(no bias); item is Identity
    xu = x_user @ W_user
    xi = x_item
    # etype ('user','to','item'): aggregate user feats into item nodes
    dst_ui, deg_ui = _rel(xu, edge_index_ui, N_ITEM)
    # etype ('item','to','user'): aggregate item feats into user nodes
    dst_iu, deg_iu = _rel(xi, edge_index_iu, N_USER)
    # rel_embs: per etype {dst, src_in, deg_dst}
    return (dst_ui, xu, deg_ui, dst_iu, xi, deg_iu)

if __name__ == "__main__":
    import jax
    _d = setup_inputs()
    print(jax.jit(kernel)(*tuple(_d.values())))

</pallas_src>

<mosaic_0001>
#map = affine_map<(d0, d1) -> (0, 0)>
#map1 = affine_map<(d0, d1) -> (0, 0, 0)>
module attributes {stable_mosaic.version = 14 : i64} {
  func.func @_sc_body(%arg0: i32, %arg1: i32, %arg2: memref<10000x64xf32, #tpu.memory_space<hbm>>, %arg3: memref<10000x64xf32, #tpu.memory_space<hbm>>, %arg4: memref<10000x64xf32, #tpu.memory_space<hbm>>, %arg5: memref<10000x64xf32, #tpu.memory_space<hbm>>, %arg6: memref<16x147x128xi32, #tpu.memory_space<hbm>>, %arg7: memref<16x147x128xi32, #tpu.memory_space<hbm>>, %arg8: memref<16x147x128xi32, #tpu.memory_space<hbm>>, %arg9: memref<16x147x128xi32, #tpu.memory_space<hbm>>, %arg10: memref<10240x64xf32, #tpu.memory_space<hbm>>, %arg11: memref<10240x8xf32, #tpu.memory_space<hbm>>, %arg12: memref<128x8xf32, #tpu.memory_space<hbm>>, %arg13: memref<10240x64xf32, #tpu.memory_space<hbm>>, %arg14: memref<10240x64xf32, #tpu.memory_space<hbm>>, %arg15: memref<10240x8xf32, #tpu.memory_space<hbm>>, %arg16: memref<10240x64xf32, #tpu.memory_space<hbm>>, %arg17: memref<10240x64xf32, #tpu.memory_space<hbm>>, %arg18: memref<10240x8xf32, #tpu.memory_space<hbm>>, %arg19: memref<147x128xi32, #tpu.memory_space<vmem>>, %arg20: memref<147x128xi32, #tpu.memory_space<vmem>>, %arg21: memref<2x128x64xf32, #tpu.memory_space<vmem>>, %arg22: memref<128x8xf32, #tpu.memory_space<vmem>>, %arg23: memref<10240x64xf32, #tpu.memory_space<vmem_shared>>, %arg24: memref<10240x8xf32, #tpu.memory_space<vmem_shared>>, %arg25: memref<!tpu.dma_semaphore, #tpu.memory_space<semaphore_mem>>, %arg26: memref<!tpu.dma_semaphore, #tpu.memory_space<semaphore_mem>>, %arg27: memref<!tpu.dma_semaphore, #tpu.memory_space<semaphore_mem>>) attributes {dimension_semantics = [#tpu.dimension_semantics<core_parallel>, #tpu.dimension_semantics<subcore_parallel>], iteration_bounds = array<i64: 2, 16>, scalar_prefetch = 0 : i64, scratch_operands = 9 : i64, tpu.core_type = #tpu.core_type<sc_vector_subcore>, window_params = [{transform_indices = #map}, {transform_indices = #map}, {transform_indices = #map}, {transform_indices = #map}, {transform_indices = #map1}, {transform_indices = #map1}, {transform_indices = #map1}, {transform_indices = #map1}, {transform_indices = #map}, {transform_indices = #map}, {transform_indices = #map}, {transform_indices = #map}, {transform_indices = #map}, {transform_indices = #map}, {transform_indices = #map}, {transform_indices = #map}, {transform_indices = #map}]} {
    %mul3A = arith.constant 640 : i32
    %mul3A_0 = arith.muli %arg1, %mul3A : i32
    %eq3A = arith.constant 0 : i32
    %eq3A_1 = arith.cmpi eq, %arg0, %eq3A : i32
    %convert_element_type3A = arith.extui %eq3A_1 : i1 to i32
    %cond3A = arith.constant 0 : i32
    %cond3A_2 = arith.cmpi ne, %convert_element_type3A, %cond3A : i32
    scf.if %cond3A_2 {
      "tpu.region"() ({
        %run_scoped3A = tpu.sem_alloc : memref<!tpu.dma_semaphore, #tpu.memory_space<semaphore_mem>>
        %dma_start3A_74 = arith.constant 0 : i32
        %dma_start3A_75 = arith.constant 0 : i32
        %dma_start3A_76 = tpu.memref_slice %arg6[%arg1, %dma_start3A_74, %dma_start3A_75] : memref<16x147x128xi32, #tpu.memory_space<hbm>> -> memref<1x147x128xi32, #tpu.memory_space<hbm>>
        %dma_start3A_77 = tpu.memref_squeeze %dma_start3A_76 : memref<1x147x128xi32, #tpu.memory_space<hbm>> -> memref<147x128xi32, #tpu.memory_space<hbm>>
        %dma_start3A_78 = arith.constant 0 : i32
        %dma_start3A_79 = arith.constant 0 : i32
        %dma_start3A_80 = tpu.memref_slice %arg6[%arg1, %dma_start3A_78, %dma_start3A_79] : memref<16x147x128xi32, #tpu.memory_space<hbm>> -> memref<1x147x128xi32, #tpu.memory_space<hbm>>
        %dma_start3A_81 = tpu.memref_squeeze %dma_start3A_80 : memref<1x147x128xi32, #tpu.memory_space<hbm>> -> memref<147x128xi32, #tpu.memory_space<hbm>>
        tpu.enqueue_dma source(%dma_start3A_81 : memref<147x128xi32, #tpu.memory_space<hbm>>) target(%arg19 : memref<147x128xi32, #tpu.memory_space<vmem>>) target_semaphore(%run_scoped3A : memref<!tpu.dma_semaphore, #tpu.memory_space<semaphore_mem>>)
        %dma_wait3A_82 = arith.constant 0 : i32
        %dma_wait3A_83 = arith.constant 0 : i32
        %dma_wait3A_84 = tpu.memref_slice %arg6[%arg1, %dma_wait3A_82, %dma_wait3A_83] : memref<16x147x128xi32, #tpu.memory_space<hbm>> -> memref<1x147x128xi32, #tpu.memory_space<hbm>>
        %dma_wait3A_85 = tpu.memref_squeeze %dma_wait3A_84 : memref<1x147x128xi32, #tpu.memory_space<hbm>> -> memref<147x128xi32, #tpu.memory_space<hbm>>
        %dma_wait3A_86 = arith.constant 0 : i32
        %dma_wait3A_87 = arith.constant 0 : i32
        %dma_wait3A_88 = tpu.memref_slice %arg6[%arg1, %dma_wait3A_86, %dma_wait3A_87] : memref<16x147x128xi32, #tpu.memory_space<hbm>> -> memref<1x147x128xi32, #tpu.memory_space<hbm>>
        %dma_wait3A_89 = tpu.memref_squeeze %dma_wait3A_88 : memref<1x147x128xi32, #tpu.memory_space<hbm>> -> memref<147x128xi32, #tpu.memory_space<hbm>>
        tpu.wait_dma2 semaphore(%run_scoped3A : memref<!tpu.dma_semaphore, #tpu.memory_space<semaphore_mem>>) src(%dma_wait3A_89 : memref<147x128xi32, #tpu.memory_space<hbm>>) dst(%arg19 : memref<147x128xi32, #tpu.memory_space<vmem>>)
        tpu.yield
      }) : () -> ()
      "tpu.region"() ({
        %run_scoped3A = tpu.sem_alloc : memref<!tpu.dma_semaphore, #tpu.memory_space<semaphore_mem>>
        %dma_start3A_74 = arith.constant 0 : i32
        %dma_start3A_75 = arith.constant 0 : i32
        %dma_start3A_76 = tpu.memref_slice %arg7[%arg1, %dma_start3A_74, %dma_start3A_75] : memref<16x147x128xi32, #tpu.memory_space<hbm>> -> memref<1x147x128xi32, #tpu.memory_space<hbm>>
        %dma_start3A_77 = tpu.memref_squeeze %dma_start3A_76 : memref<1x147x128xi32, #tpu.memory_space<hbm>> -> memref<147x128xi32, #tpu.memory_space<hbm>>
        %dma_start3A_78 = arith.constant 0 : i32
        %dma_start3A_79 = arith.constant 0 : i32
        %dma_start3A_80 = tpu.memref_slice %arg7[%arg1, %dma_start3A_78, %dma_start3A_79] : memref<16x147x128xi32, #tpu.memory_space<hbm>> -> memref<1x147x128xi32, #tpu.memory_space<hbm>>
        %dma_start3A_81 = tpu.memref_squeeze %dma_start3A_80 : memref<1x147x128xi32, #tpu.memory_space<hbm>> -> memref<147x128xi32, #tpu.memory_space<hbm>>
        tpu.enqueue_dma source(%dma_start3A_81 : memref<147x128xi32, #tpu.memory_space<hbm>>) target(%arg20 : memref<147x128xi32, #tpu.memory_space<vmem>>) target_semaphore(%run_scoped3A : memref<!tpu.dma_semaphore, #tpu.memory_space<semaphore_mem>>)
        %dma_wait3A_82 = arith.constant 0 : i32
        %dma_wait3A_83 = arith.constant 0 : i32
        %dma_wait3A_84 = tpu.memref_slice %arg7[%arg1, %dma_wait3A_82, %dma_wait3A_83] : memref<16x147x128xi32, #tpu.memory_space<hbm>> -> memref<1x147x128xi32, #tpu.memory_space<hbm>>
        %dma_wait3A_85 = tpu.memref_squeeze %dma_wait3A_84 : memref<1x147x128xi32, #tpu.memory_space<hbm>> -> memref<147x128xi32, #tpu.memory_space<hbm>>
        %dma_wait3A_86 = arith.constant 0 : i32
        %dma_wait3A_87 = arith.constant 0 : i32
        %dma_wait3A_88 = tpu.memref_slice %arg7[%arg1, %dma_wait3A_86, %dma_wait3A_87] : memref<16x147x128xi32, #tpu.memory_space<hbm>> -> memref<1x147x128xi32, #tpu.memory_space<hbm>>
        %dma_wait3A_89 = tpu.memref_squeeze %dma_wait3A_88 : memref<1x147x128xi32, #tpu.memory_space<hbm>> -> memref<147x128xi32, #tpu.memory_space<hbm>>
        tpu.wait_dma2 semaphore(%run_scoped3A : memref<!tpu.dma_semaphore, #tpu.memory_space<semaphore_mem>>) src(%dma_wait3A_89 : memref<147x128xi32, #tpu.memory_space<hbm>>) dst(%arg20 : memref<147x128xi32, #tpu.memory_space<vmem>>)
        tpu.yield
      }) : () -> ()
      "tpu.region"() ({
        %run_scoped3A = tpu.sem_alloc : memref<!tpu.dma_semaphore, #tpu.memory_space<semaphore_mem>>
        tpu.enqueue_dma source(%arg12 : memref<128x8xf32, #tpu.memory_space<hbm>>) target(%arg22 : memref<128x8xf32, #tpu.memory_space<vmem>>) target_semaphore(%run_scoped3A : memref<!tpu.dma_semaphore, #tpu.memory_space<semaphore_mem>>)
        tpu.wait_dma2 semaphore(%run_scoped3A : memref<!tpu.dma_semaphore, #tpu.memory_space<semaphore_mem>>) src(%arg12 : memref<128x8xf32, #tpu.memory_space<hbm>>) dst(%arg22 : memref<128x8xf32, #tpu.memory_space<vmem>>)
        tpu.yield
      }) : () -> ()
      "tpu.region"() ({
        %run_scoped3A = tpu.sem_alloc : memref<!tpu.dma_semaphore, #tpu.memory_space<semaphore_mem>>
        %dma_start3A_74 = arith.constant 0 : i32
        %dma_start3A_75 = tpu.memref_slice %arg23[%mul3A_0, %dma_start3A_74] : memref<10240x64xf32, #tpu.memory_space<vmem_shared>> -> memref<640x64xf32, #tpu.memory_space<vmem_shared>>
        %dma_start3A_76 = arith.constant 0 : i32
        %dma_start3A_77 = tpu.memref_slice %arg10[%mul3A_0, %dma_start3A_76] : memref<10240x64xf32, #tpu.memory_space<hbm>> -> memref<640x64xf32, #tpu.memory_space<hbm>>
        tpu.enqueue_dma source(%dma_start3A_77 : memref<640x64xf32, #tpu.memory_space<hbm>>) target(%dma_start3A_75 : memref<640x64xf32, #tpu.memory_space<vmem_shared>>) target_semaphore(%run_scoped3A : memref<!tpu.dma_semaphore, #tpu.memory_space<semaphore_mem>>)
        %dma_wait3A_78 = arith.constant 0 : i32
        %dma_wait3A_79 = tpu.memref_slice %arg23[%mul3A_0, %dma_wait3A_78] : memref<10240x64xf32, #tpu.memory_space<vmem_shared>> -> memref<640x64xf32, #tpu.memory_space<vmem_shared>>
        %dma_wait3A_80 = arith.constant 0 : i32
        %dma_wait3A_81 = tpu.memref_slice %arg10[%mul3A_0, %dma_wait3A_80] : memref<10240x64xf32, #tpu.memory_space<hbm>> -> memref<640x64xf32, #tpu.memory_space<hbm>>
        tpu.wait_dma2 semaphore(%run_scoped3A : memref<!tpu.dma_semaphore, #tpu.memory_space<semaphore_mem>>) src(%dma_wait3A_81 : memref<640x64xf32, #tpu.memory_space<hbm>>) dst(%dma_wait3A_79 : memref<640x64xf32, #tpu.memory_space<vmem_shared>>)
        tpu.yield
      }) : () -> ()
      "tpu.region"() ({
        %run_scoped3A = tpu.sem_alloc : memref<!tpu.dma_semaphore, #tpu.memory_space<semaphore_mem>>
        %dma_start3A_74 = arith.constant 0 : i32
        %dma_start3A_75 = tpu.memref_slice %arg24[%mul3A_0, %dma_start3A_74] : memref<10240x8xf32, #tpu.memory_space<vmem_shared>> -> memref<640x8xf32, #tpu.memory_space<vmem_shared>>
        %dma_start3A_76 = arith.constant 0 : i32
        %dma_start3A_77 = tpu.memref_slice %arg11[%mul3A_0, %dma_start3A_76] : memref<10240x8xf32, #tpu.memory_space<hbm>> -> memref<640x8xf32, #tpu.memory_space<hbm>>
        tpu.enqueue_dma source(%dma_start3A_77 : memref<640x8xf32, #tpu.memory_space<hbm>>) target(%dma_start3A_75 : memref<640x8xf32, #tpu.memory_space<vmem_shared>>) target_semaphore(%run_scoped3A : memref<!tpu.dma_semaphore, #tpu.memory_space<semaphore_mem>>)
        %dma_wait3A_78 = arith.constant 0 : i32
        %dma_wait3A_79 = tpu.memref_slice %arg24[%mul3A_0, %dma_wait3A_78] : memref<10240x8xf32, #tpu.memory_space<vmem_shared>> -> memref<640x8xf32, #tpu.memory_space<vmem_shared>>
        %dma_wait3A_80 = arith.constant 0 : i32
        %dma_wait3A_81 = tpu.memref_slice %arg11[%mul3A_0, %dma_wait3A_80] : memref<10240x8xf32, #tpu.memory_space<hbm>> -> memref<640x8xf32, #tpu.memory_space<hbm>>
        tpu.wait_dma2 semaphore(%run_scoped3A : memref<!tpu.dma_semaphore, #tpu.memory_space<semaphore_mem>>) src(%dma_wait3A_81 : memref<640x8xf32, #tpu.memory_space<hbm>>) dst(%dma_wait3A_79 : memref<640x8xf32, #tpu.memory_space<vmem_shared>>)
        tpu.yield
      }) : () -> ()
      %barrier3A = arith.constant 0 : index
      tpu.barrier barrier_id(%barrier3A)
      %dma_start3A = arith.constant 0 : i32
      %dma_start3A_8 = arith.constant 0 : i32
      %dma_start3A_9 = arith.constant 0 : i32
      %dma_start3A_10 = arith.constant 0 : i32
      %dma_start3A_11 = tpu.memref_slice %arg21[%dma_start3A_8, %dma_start3A_9, %dma_start3A_10] : memref<2x128x64xf32, #tpu.memory_space<vmem>> -> memref<1x128x64xf32, #tpu.memory_space<vmem>>
      %dma_start3A_12 = tpu.memref_squeeze %dma_start3A_11 : memref<1x128x64xf32, #tpu.memory_space<vmem>> -> memref<128x64xf32, #tpu.memory_space<vmem>>
      %dma_start3A_13 = arith.constant 0 : i32
      %dma_start3A_14 = tpu.memref_slice %arg19[%dma_start3A, %dma_start3A_13] : memref<147x128xi32, #tpu.memory_space<vmem>> -> memref<1x128xi32, #tpu.memory_space<vmem>>
      %dma_start3A_15 = tpu.memref_squeeze %dma_start3A_14 : memref<1x128xi32, #tpu.memory_space<vmem>> -> memref<128xi32, #tpu.memory_space<vmem>>
      %dma_start3A_16 = arith.constant 0 : i32
      %dma_start3A_17 = arith.constant 0 : i32
      %dma_start3A_18 = tpu.memref_slice %arg2[%dma_start3A_16, %dma_start3A_17] : memref<10000x64xf32, #tpu.memory_space<hbm>> -> memref<10000x64xf32, #tpu.memory_space<hbm>>
      tpu.enqueue_indirect_dma source(%dma_start3A_18 : memref<10000x64xf32, #tpu.memory_space<hbm>>) target(%dma_start3A_12 : memref<128x64xf32, #tpu.memory_space<vmem>>) offsets(%dma_start3A_15 : memref<128xi32, #tpu.memory_space<vmem>>) semaphore(%arg25 : memref<!tpu.dma_semaphore, #tpu.memory_space<semaphore_mem>>)
      %scan3A = arith.constant 0 : i32
      %scan3A_19 = arith.constant 0 : i32
      %scan3A_20 = arith.constant 147 : i32
      %scan3A_21 = arith.addi %scan3A_19, %scan3A_20 : i32
      %scan3A_22 = arith.constant 1 : i32
      scf.for %scan3A_74 = %scan3A_19 to %scan3A_21 step %scan3A_22  : i32 {
        %jit3A = arith.constant 2 : i32
        %eq3A_75 = arith.constant 0 : i32
        %eq3A_76 = arith.cmpi eq, %jit3A, %eq3A_75 : i32
        %jit3A_77 = arith.constant 1 : i32
        %select_n3A = arith.select %eq3A_76, %jit3A_77, %jit3A : i32
        %rem3A = arith.remsi %scan3A_74, %select_n3A : i32
        %ne3A = arith.constant 0 : i32
        %ne3A_78 = arith.cmpi ne, %rem3A, %ne3A : i32
        %lt3A = arith.constant 0 : i32
        %lt3A_79 = arith.cmpi slt, %rem3A, %lt3A : i32
        %lt3A_80 = arith.constant 0 : i32
        %lt3A_81 = arith.cmpi slt, %select_n3A, %lt3A_80 : i32
        %ne3A_82 = arith.xori %lt3A_79, %lt3A_81 : i1
        %and3A = arith.andi %ne3A_82, %ne3A_78 : i1
        %add3A = arith.addi %rem3A, %select_n3A : i32
        %select_n3A_83 = arith.select %and3A, %add3A, %rem3A : i32
        %sub3A = arith.constant 1 : i32
        %sub3A_84 = arith.subi %sub3A, %select_n3A_83 : i32
        %dma_wait3A_85 = arith.constant 0 : i32
        %dma_wait3A_86 = arith.constant 0 : i32
        %dma_wait3A_87 = tpu.memref_slice %arg21[%select_n3A_83, %dma_wait3A_85, %dma_wait3A_86] : memref<2x128x64xf32, #tpu.memory_space<vmem>> -> memref<1x128x64xf32, #tpu.memory_space<vmem>>
        %dma_wait3A_88 = tpu.memref_squeeze %dma_wait3A_87 : memref<1x128x64xf32, #tpu.memory_space<vmem>> -> memref<128x64xf32, #tpu.memory_space<vmem>>
        %dma_wait3A_89 = arith.constant 0 : i32
        %dma_wait3A_90 = tpu.memref_slice %arg19[%scan3A_74, %dma_wait3A_89] : memref<147x128xi32, #tpu.memory_space<vmem>> -> memref<1x128xi32, #tpu.memory_space<vmem>>
        %dma_wait3A_91 = tpu.memref_squeeze %dma_wait3A_90 : memref<1x128xi32, #tpu.memory_space<vmem>> -> memref<128xi32, #tpu.memory_space<vmem>>
        %dma_wait3A_92 = arith.constant 0 : i32
        %dma_wait3A_93 = arith.constant 0 : i32
        %dma_wait3A_94 = tpu.memref_slice %arg2[%dma_wait3A_92, %dma_wait3A_93] : memref<10000x64xf32, #tpu.memory_space<hbm>> -> memref<10000x64xf32, #tpu.memory_space<hbm>>
        tpu.wait_indirect_dma semaphore(%arg25 : memref<!tpu.dma_semaphore, #tpu.memory_space<semaphore_mem>>) src(%dma_wait3A_94 : memref<10000x64xf32, #tpu.memory_space<hbm>>) dst(%dma_wait3A_88 : memref<128x64xf32, #tpu.memory_space<vmem>>)
        %ge3A = arith.constant 1 : i32
        %ge3A_95 = arith.cmpi sge, %scan3A_74, %ge3A : i32
        %convert_element_type3A_96 = arith.extui %ge3A_95 : i1 to i32
        %cond3A_97 = arith.constant 0 : i32
        %cond3A_98 = arith.cmpi ne, %convert_element_type3A_96, %cond3A_97 : i32
        scf.if %cond3A_98 {
          %dma_wait3A_122 = arith.constant 0 : i32
          %dma_wait3A_123 = arith.constant 0 : i32
          %dma_wait3A_124 = tpu.memref_slice %arg21[%sub3A_84, %dma_wait3A_122, %dma_wait3A_123] : memref<2x128x64xf32, #tpu.memory_space<vmem>> -> memref<1x128x64xf32, #tpu.memory_space<vmem>>
          %dma_wait3A_125 = tpu.memref_squeeze %dma_wait3A_124 : memref<1x128x64xf32, #tpu.memory_space<vmem>> -> memref<128x64xf32, #tpu.memory_space<vmem>>
          %dma_wait3A_126 = arith.constant 0 : i32
          %dma_wait3A_127 = tpu.memref_slice %arg20[%scan3A_74, %dma_wait3A_126] : memref<147x128xi32, #tpu.memory_space<vmem>> -> memref<1x128xi32, #tpu.memory_space<vmem>>
          %dma_wait3A_128 = tpu.memref_squeeze %dma_wait3A_127 : memref<1x128xi32, #tpu.memory_space<vmem>> -> memref<128xi32, #tpu.memory_space<vmem>>
          %dma_wait3A_129 = arith.constant 0 : i32
          %dma_wait3A_130 = arith.constant 0 : i32
          %dma_wait3A_131 = tpu.memref_slice %arg23[%dma_wait3A_129, %dma_wait3A_130] : memref<10240x64xf32, #tpu.memory_space<vmem_shared>> -> memref<10240x64xf32, #tpu.memory_space<vmem_shared>>
          tpu.wait_indirect_dma semaphore(%arg26 : memref<!tpu.dma_semaphore, #tpu.memory_space<semaphore_mem>>) src(%dma_wait3A_125 : memref<128x64xf32, #tpu.memory_space<vmem>>) dst(%dma_wait3A_131 : memref<10240x64xf32, #tpu.memory_space<vmem_shared>>)
        } else {
        }
        %add3A_99 = arith.constant 1 : i32
        %add3A_100 = arith.addi %scan3A_74, %add3A_99 : i32
        %lt3A_101 = arith.constant 147 : i32
        %lt3A_102 = arith.cmpi slt, %add3A_100, %lt3A_101 : i32
        %convert_element_type3A_103 = arith.extui %lt3A_102 : i1 to i32
        %cond3A_104 = arith.constant 0 : i32
        %cond3A_105 = arith.cmpi ne, %convert_element_type3A_103, %cond3A_104 : i32
        scf.if %cond3A_105 {
          %add3A_122 = arith.constant 1 : i32
          %add3A_123 = arith.addi %scan3A_74, %add3A_122 : i32
          %dma_start3A_124 = arith.constant 0 : i32
          %dma_start3A_125 = arith.constant 0 : i32
          %dma_start3A_126 = tpu.memref_slice %arg21[%sub3A_84, %dma_start3A_124, %dma_start3A_125] : memref<2x128x64xf32, #tpu.memory_space<vmem>> -> memref<1x128x64xf32, #tpu.memory_space<vmem>>
          %dma_start3A_127 = tpu.memref_squeeze %dma_start3A_126 : memref<1x128x64xf32, #tpu.memory_space<vmem>> -> memref<128x64xf32, #tpu.memory_space<vmem>>
          %dma_start3A_128 = arith.constant 0 : i32
          %dma_start3A_129 = tpu.memref_slice %arg19[%add3A_123, %dma_start3A_128] : memref<147x128xi32, #tpu.memory_space<vmem>> -> memref<1x128xi32, #tpu.memory_space<vmem>>
          %dma_start3A_130 = tpu.memref_squeeze %dma_start3A_129 : memref<1x128xi32, #tpu.memory_space<vmem>> -> memref<128xi32, #tpu.memory_space<vmem>>
          %dma_start3A_131 = arith.constant 0 : i32
          %dma_start3A_132 = arith.constant 0 : i32
          %dma_start3A_133 = tpu.memref_slice %arg2[%dma_start3A_131, %dma_start3A_132] : memref<10000x64xf32, #tpu.memory_space<hbm>> -> memref<10000x64xf32, #tpu.memory_space<hbm>>
          tpu.enqueue_indirect_dma source(%dma_start3A_133 : memref<10000x64xf32, #tpu.memory_space<hbm>>) target(%dma_start3A_127 : memref<128x64xf32, #tpu.memory_space<vmem>>) offsets(%dma_start3A_130 : memref<128xi32, #tpu.memory_space<vmem>>) semaphore(%arg25 : memref<!tpu.dma_semaphore, #tpu.memory_space<semaphore_mem>>)
        } else {
        }
        %dma_start3A_106 = arith.constant 0 : i32
        %dma_start3A_107 = arith.constant 0 : i32
        %dma_start3A_108 = tpu.memref_slice %arg21[%select_n3A_83, %dma_start3A_106, %dma_start3A_107] : memref<2x128x64xf32, #tpu.memory_space<vmem>> -> memref<1x128x64xf32, #tpu.memory_space<vmem>>
        %dma_start3A_109 = tpu.memref_squeeze %dma_start3A_108 : memref<1x128x64xf32, #tpu.memory_space<vmem>> -> memref<128x64xf32, #tpu.memory_space<vmem>>
        %dma_start3A_110 = arith.constant 0 : i32
        %dma_start3A_111 = tpu.memref_slice %arg20[%scan3A_74, %dma_start3A_110] : memref<147x128xi32, #tpu.memory_space<vmem>> -> memref<1x128xi32, #tpu.memory_space<vmem>>
        %dma_start3A_112 = tpu.memref_squeeze %dma_start3A_111 : memref<1x128xi32, #tpu.memory_space<vmem>> -> memref<128xi32, #tpu.memory_space<vmem>>
        %dma_start3A_113 = arith.constant 0 : i32
        %dma_start3A_114 = arith.constant 0 : i32
        %dma_start3A_115 = tpu.memref_slice %arg23[%dma_start3A_113, %dma_start3A_114] : memref<10240x64xf32, #tpu.memory_space<vmem_shared>> -> memref<10240x64xf32, #tpu.memory_space<vmem_shared>>
        tpu.enqueue_indirect_dma source(%dma_start3A_109 : memref<128x64xf32, #tpu.memory_space<vmem>>) target(%dma_start3A_115 : memref<10240x64xf32, #tpu.memory_space<vmem_shared>>) offsets(%dma_start3A_112 : memref<128xi32, #tpu.memory_space<vmem>>) semaphore(%arg26 : memref<!tpu.dma_semaphore, #tpu.memory_space<semaphore_mem>>) {add = true}
        %dma_start3A_116 = arith.constant 0 : i32
        %dma_start3A_117 = tpu.memref_slice %arg20[%scan3A_74, %dma_start3A_116] : memref<147x128xi32, #tpu.memory_space<vmem>> -> memref<1x128xi32, #tpu.memory_space<vmem>>
        %dma_start3A_118 = tpu.memref_squeeze %dma_start3A_117 : memref<1x128xi32, #tpu.memory_space<vmem>> -> memref<128xi32, #tpu.memory_space<vmem>>
        %dma_start3A_119 = arith.constant 0 : i32
        %dma_start3A_120 = arith.constant 0 : i32
        %dma_start3A_121 = tpu.memref_slice %arg24[%dma_start3A_119, %dma_start3A_120] : memref<10240x8xf32, #tpu.memory_space<vmem_shared>> -> memref<10240x8xf32, #tpu.memory_space<vmem_shared>>
        tpu.enqueue_indirect_dma source(%arg22 : memref<128x8xf32, #tpu.memory_space<vmem>>) target(%dma_start3A_121 : memref<10240x8xf32, #tpu.memory_space<vmem_shared>>) offsets(%dma_start3A_118 : memref<128xi32, #tpu.memory_space<vmem>>) semaphore(%arg27 : memref<!tpu.dma_semaphore, #tpu.memory_space<semaphore_mem>>) {add = true}
      }
      %scan3A_23 = arith.constant 147 : i32
      %dma_wait3A = arith.constant 0 : i32
      %dma_wait3A_24 = arith.constant 146 : i32
      %dma_wait3A_25 = arith.constant 0 : i32
      %dma_wait3A_26 = arith.constant 0 : i32
      %dma_wait3A_27 = tpu.memref_slice %arg21[%dma_wait3A, %dma_wait3A_25, %dma_wait3A_26] : memref<2x128x64xf32, #tpu.memory_space<vmem>> -> memref<1x128x64xf32, #tpu.memory_space<vmem>>
      %dma_wait3A_28 = tpu.memref_squeeze %dma_wait3A_27 : memref<1x128x64xf32, #tpu.memory_space<vmem>> -> memref<128x64xf32, #tpu.memory_space<vmem>>
      %dma_wait3A_29 = arith.constant 0 : i32
      %dma_wait3A_30 = tpu.memref_slice %arg20[%dma_wait3A_24, %dma_wait3A_29] : memref<147x128xi32, #tpu.memory_space<vmem>> -> memref<1x128xi32, #tpu.memory_space<vmem>>
      %dma_wait3A_31 = tpu.memref_squeeze %dma_wait3A_30 : memref<1x128xi32, #tpu.memory_space<vmem>> -> memref<128xi32, #tpu.memory_space<vmem>>
      %dma_wait3A_32 = arith.constant 0 : i32
      %dma_wait3A_33 = arith.constant 0 : i32
      %dma_wait3A_34 = tpu.memref_slice %arg23[%dma_wait3A_32, %dma_wait3A_33] : memref<10240x64xf32, #tpu.memory_space<vmem_shared>> -> memref<10240x64xf32, #tpu.memory_space<vmem_shared>>
      tpu.wait_indirect_dma semaphore(%arg26 : memref<!tpu.dma_semaphore, #tpu.memory_space<semaphore_mem>>) src(%dma_wait3A_28 : memref<128x64xf32, #tpu.memory_space<vmem>>) dst(%dma_wait3A_34 : memref<10240x64xf32, #tpu.memory_space<vmem_shared>>)
      %scan3A_35 = arith.constant 0 : i32
      %scan3A_36 = arith.constant 0 : i32
      %scan3A_37 = arith.constant 147 : i32
      %scan3A_38 = arith.addi %scan3A_36, %scan3A_37 : i32
      %scan3A_39 = arith.constant 1 : i32
      scf.for %scan3A_74 = %scan3A_36 to %scan3A_38 step %scan3A_39  : i32 {
        %dma_wait3A_75 = arith.constant 0 : i32
        %dma_wait3A_76 = arith.constant 0 : i32
        %dma_wait3A_77 = tpu.memref_slice %arg20[%dma_wait3A_75, %dma_wait3A_76] : memref<147x128xi32, #tpu.memory_space<vmem>> -> memref<1x128xi32, #tpu.memory_space<vmem>>
        %dma_wait3A_78 = tpu.memref_squeeze %dma_wait3A_77 : memref<1x128xi32, #tpu.memory_space<vmem>> -> memref<128xi32, #tpu.memory_space<vmem>>
        %dma_wait3A_79 = arith.constant 0 : i32
        %dma_wait3A_80 = arith.constant 0 : i32
        %dma_wait3A_81 = tpu.memref_slice %arg24[%dma_wait3A_79, %dma_wait3A_80] : memref<10240x8xf32, #tpu.memory_space<vmem_shared>> -> memref<10240x8xf32, #tpu.memory_space<vmem_shared>>
        tpu.wait_indirect_dma semaphore(%arg27 : memref<!tpu.dma_semaphore, #tpu.memory_space<semaphore_mem>>) src(%arg22 : memref<128x8xf32, #tpu.memory_space<vmem>>) dst(%dma_wait3A_81 : memref<10240x8xf32, #tpu.memory_space<vmem_shared>>)
      }
      %scan3A_40 = arith.constant 147 : i32
      %barrier3A_41 = arith.constant 0 : index
      tpu.barrier barrier_id(%barrier3A_41)
      "tpu.region"() ({
        %run_scoped3A = tpu.sem_alloc : memref<!tpu.dma_semaphore, #tpu.memory_space<semaphore_mem>>
        %dma_start3A_74 = arith.constant 0 : i32
        %dma_start3A_75 = tpu.memref_slice %arg13[%mul3A_0, %dma_start3A_74] : memref<10240x64xf32, #tpu.memory_space<hbm>> -> memref<640x64xf32, #tpu.memory_space<hbm>>
        %dma_start3A_76 = arith.constant 0 : i32
        %dma_start3A_77 = tpu.memref_slice %arg23[%mul3A_0, %dma_start3A_76] : memref<10240x64xf32, #tpu.memory_space<vmem_shared>> -> memref<640x64xf32, #tpu.memory_space<vmem_shared>>
        tpu.enqueue_dma source(%dma_start3A_77 : memref<640x64xf32, #tpu.memory_space<vmem_shared>>) target(%dma_start3A_75 : memref<640x64xf32, #tpu.memory_space<hbm>>) target_semaphore(%run_scoped3A : memref<!tpu.dma_semaphore, #tpu.memory_space<semaphore_mem>>)
        %dma_wait3A_78 = arith.constant 0 : i32
        %dma_wait3A_79 = tpu.memref_slice %arg13[%mul3A_0, %dma_wait3A_78] : memref<10240x64xf32, #tpu.memory_space<hbm>> -> memref<640x64xf32, #tpu.memory_space<hbm>>
        %dma_wait3A_80 = arith.constant 0 : i32
        %dma_wait3A_81 = tpu.memref_slice %arg23[%mul3A_0, %dma_wait3A_80] : memref<10240x64xf32, #tpu.memory_space<vmem_shared>> -> memref<640x64xf32, #tpu.memory_space<vmem_shared>>
        tpu.wait_dma2 semaphore(%run_scoped3A : memref<!tpu.dma_semaphore, #tpu.memory_space<semaphore_mem>>) src(%dma_wait3A_81 : memref<640x64xf32, #tpu.memory_space<vmem_shared>>) dst(%dma_wait3A_79 : memref<640x64xf32, #tpu.memory_space<hbm>>)
        tpu.yield
      }) : () -> ()
      "tpu.region"() ({
        %run_scoped3A = tpu.sem_alloc : memref<!tpu.dma_semaphore, #tpu.memory_space<semaphore_mem>>
        %dma_start3A_74 = arith.constant 0 : i32
        %dma_start3A_75 = tpu.memref_slice %arg15[%mul3A_0, %dma_start3A_74] : memref<10240x8xf32, #tpu.memory_space<hbm>> -> memref<640x8xf32, #tpu.memory_space<hbm>>
        %dma_start3A_76 = arith.constant 0 : i32
        %dma_start3A_77 = tpu.memref_slice %arg24[%mul3A_0, %dma_start3A_76] : memref<10240x8xf32, #tpu.memory_space<vmem_shared>> -> memref<640x8xf32, #tpu.memory_space<vmem_shared>>
        tpu.enqueue_dma source(%dma_start3A_77 : memref<640x8xf32, #tpu.memory_space<vmem_shared>>) target(%dma_start3A_75 : memref<640x8xf32, #tpu.memory_space<hbm>>) target_semaphore(%run_scoped3A : memref<!tpu.dma_semaphore, #tpu.memory_space<semaphore_mem>>)
        %dma_wait3A_78 = arith.constant 0 : i32
        %dma_wait3A_79 = tpu.memref_slice %arg15[%mul3A_0, %dma_wait3A_78] : memref<10240x8xf32, #tpu.memory_space<hbm>> -> memref<640x8xf32, #tpu.memory_space<hbm>>
        %dma_wait3A_80 = arith.constant 0 : i32
        %dma_wait3A_81 = tpu.memref_slice %arg24[%mul3A_0, %dma_wait3A_80] : memref<10240x8xf32, #tpu.memory_space<vmem_shared>> -> memref<640x8xf32, #tpu.memory_space<vmem_shared>>
        tpu.wait_dma2 semaphore(%run_scoped3A : memref<!tpu.dma_semaphore, #tpu.memory_space<semaphore_mem>>) src(%dma_wait3A_81 : memref<640x8xf32, #tpu.memory_space<vmem_shared>>) dst(%dma_wait3A_79 : memref<640x8xf32, #tpu.memory_space<hbm>>)
        tpu.yield
      }) : () -> ()
      "tpu.region"() ({
        %run_scoped3A = tpu.sem_alloc : memref<!tpu.dma_semaphore, #tpu.memory_space<semaphore_mem>>
        %dma_start3A_74 = arith.constant 0 : i32
        %dma_start3A_75 = tpu.memref_slice %arg23[%mul3A_0, %dma_start3A_74] : memref<10240x64xf32, #tpu.memory_space<vmem_shared>> -> memref<640x64xf32, #tpu.memory_space<vmem_shared>>
        %dma_start3A_76 = arith.constant 0 : i32
        %dma_start3A_77 = tpu.memref_slice %arg10[%mul3A_0, %dma_start3A_76] : memref<10240x64xf32, #tpu.memory_space<hbm>> -> memref<640x64xf32, #tpu.memory_space<hbm>>
        tpu.enqueue_dma source(%dma_start3A_77 : memref<640x64xf32, #tpu.memory_space<hbm>>) target(%dma_start3A_75 : memref<640x64xf32, #tpu.memory_space<vmem_shared>>) target_semaphore(%run_scoped3A : memref<!tpu.dma_semaphore, #tpu.memory_space<semaphore_mem>>)
        %dma_wait3A_78 = arith.constant 0 : i32
        %dma_wait3A_79 = tpu.memref_slice %arg23[%mul3A_0, %dma_wait3A_78] : memref<10240x64xf32, #tpu.memory_space<vmem_shared>> -> memref<640x64xf32, #tpu.memory_space<vmem_shared>>
        %dma_wait3A_80 = arith.constant 0 : i32
        %dma_wait3A_81 = tpu.memref_slice %arg10[%mul3A_0, %dma_wait3A_80] : memref<10240x64xf32, #tpu.memory_space<hbm>> -> memref<640x64xf32, #tpu.memory_space<hbm>>
        tpu.wait_dma2 semaphore(%run_scoped3A : memref<!tpu.dma_semaphore, #tpu.memory_space<semaphore_mem>>) src(%dma_wait3A_81 : memref<640x64xf32, #tpu.memory_space<hbm>>) dst(%dma_wait3A_79 : memref<640x64xf32, #tpu.memory_space<vmem_shared>>)
        tpu.yield
      }) : () -> ()
      %barrier3A_42 = arith.constant 0 : index
      tpu.barrier barrier_id(%barrier3A_42)
      %dma_start3A_43 = arith.constant 0 : i32
      %dma_start3A_44 = arith.constant 0 : i32
      %dma_start3A_45 = arith.constant 0 : i32
      %dma_start3A_46 = arith.constant 0 : i32
      %dma_start3A_47 = tpu.memref_slice %arg21[%dma_start3A_44, %dma_start3A_45, %dma_start3A_46] : memref<2x128x64xf32, #tpu.memory_space<vmem>> -> memref<1x128x64xf32, #tpu.memory_space<vmem>>
      %dma_start3A_48 = tpu.memref_squeeze %dma_start3A_47 : memref<1x128x64xf32, #tpu.memory_space<vmem>> -> memref<128x64xf32, #tpu.memory_space<vmem>>
      %dma_start3A_49 = arith.constant 0 : i32
      %dma_start3A_50 = tpu.memref_slice %arg19[%dma_start3A_43, %dma_start3A_49] : memref<147x128xi32, #tpu.memory_space<vmem>> -> memref<1x128xi32, #tpu.memory_space<vmem>>
      %dma_start3A_51 = tpu.memref_squeeze %dma_start3A_50 : memref<1x128xi32, #tpu.memory_space<vmem>> -> memref<128xi32, #tpu.memory_space<vmem>>
      %dma_start3A_52 = arith.constant 0 : i32
      %dma_start3A_53 = arith.constant 0 : i32
      %dma_start3A_54 = tpu.memref_slice %arg3[%dma_start3A_52, %dma_start3A_53] : memref<10000x64xf32, #tpu.memory_space<hbm>> -> memref<10000x64xf32, #tpu.memory_space<hbm>>
      tpu.enqueue_indirect_dma source(%dma_start3A_54 : memref<10000x64xf32, #tpu.memory_space<hbm>>) target(%dma_start3A_48 : memref<128x64xf32, #tpu.memory_space<vmem>>) offsets(%dma_start3A_51 : memref<128xi32, #tpu.memory_space<vmem>>) semaphore(%arg25 : memref<!tpu.dma_semaphore, #tpu.memory_space<semaphore_mem>>)
      %scan3A_55 = arith.constant 0 : i32
      %scan3A_56 = arith.constant 0 : i32
      %scan3A_57 = arith.constant 147 : i32
      %scan3A_58 = arith.addi %scan3A_56, %scan3A_57 : i32
      %scan3A_59 = arith.constant 1 : i32
      scf.for %scan3A_74 = %scan3A_56 to %scan3A_58 step %scan3A_59  : i32 {
        %jit3A = arith.constant 2 : i32
        %eq3A_75 = arith.constant 0 : i32
        %eq3A_76 = arith.cmpi eq, %jit3A, %eq3A_75 : i32
        %jit3A_77 = arith.constant 1 : i32
        %select_n3A = arith.select %eq3A_76, %jit3A_77, %jit3A : i32
        %rem3A = arith.remsi %scan3A_74, %select_n3A : i32
        %ne3A = arith.constant 0 : i32
        %ne3A_78 = arith.cmpi ne, %rem3A, %ne3A : i32
        %lt3A = arith.constant 0 : i32
        %lt3A_79 = arith.cmpi slt, %rem3A, %lt3A : i32
        %lt3A_80 = arith.constant 0 : i32
        %lt3A_81 = arith.cmpi slt, %select_n3A, %lt3A_80 : i32
        %ne3A_82 = arith.xori %lt3A_79, %lt3A_81 : i1
        %and3A = arith.andi %ne3A_82, %ne3A_78 : i1
        %add3A = arith.addi %rem3A, %select_n3A : i32
        %select_n3A_83 = arith.select %and3A, %add3A, %rem3A : i32
        %sub3A = arith.constant 1 : i32
        %sub3A_84 = arith.subi %sub3A, %select_n3A_83 : i32
        %dma_wait3A_85 = arith.constant 0 : i32
        %dma_wait3A_86 = arith.constant 0 : i32
        %dma_wait3A_87 = tpu.memref_slice %arg21[%select_n3A_83, %dma_wait3A_85, %dma_wait3A_86] : memref<2x128x64xf32, #tpu.memory_space<vmem>> -> memref<1x128x64xf32, #tpu.memory_space<vmem>>
        %dma_wait3A_88 = tpu.memref_squeeze %dma_wait3A_87 : memref<1x128x64xf32, #tpu.memory_space<vmem>> -> memref<128x64xf32, #tpu.memory_space<vmem>>
        %dma_wait3A_89 = arith.constant 0 : i32
        %dma_wait3A_90 = tpu.memref_slice %arg19[%scan3A_74, %dma_wait3A_89] : memref<147x128xi32, #tpu.memory_space<vmem>> -> memref<1x128xi32, #tpu.memory_space<vmem>>
        %dma_wait3A_91 = tpu.memref_squeeze %dma_wait3A_90 : memref<1x128xi32, #tpu.memory_space<vmem>> -> memref<128xi32, #tpu.memory_space<vmem>>
        %dma_wait3A_92 = arith.constant 0 : i32
        %dma_wait3A_93 = arith.constant 0 : i32
        %dma_wait3A_94 = tpu.memref_slice %arg3[%dma_wait3A_92, %dma_wait3A_93] : memref<10000x64xf32, #tpu.memory_space<hbm>> -> memref<10000x64xf32, #tpu.memory_space<hbm>>
        tpu.wait_indirect_dma semaphore(%arg25 : memref<!tpu.dma_semaphore, #tpu.memory_space<semaphore_mem>>) src(%dma_wait3A_94 : memref<10000x64xf32, #tpu.memory_space<hbm>>) dst(%dma_wait3A_88 : memref<128x64xf32, #tpu.memory_space<vmem>>)
        %ge3A = arith.constant 1 : i32
        %ge3A_95 = arith.cmpi sge, %scan3A_74, %ge3A : i32
        %convert_element_type3A_96 = arith.extui %ge3A_95 : i1 to i32
        %cond3A_97 = arith.constant 0 : i32
        %cond3A_98 = arith.cmpi ne, %convert_element_type3A_96, %cond3A_97 : i32
        scf.if %cond3A_98 {
          %dma_wait3A_116 = arith.constant 0 : i32
          %dma_wait3A_117 = arith.constant 0 : i32
          %dma_wait3A_118 = tpu.memref_slice %arg21[%sub3A_84, %dma_wait3A_116, %dma_wait3A_117] : memref<2x128x64xf32, #tpu.memory_space<vmem>> -> memref<1x128x64xf32, #tpu.memory_space<vmem>>
          %dma_wait3A_119 = tpu.memref_squeeze %dma_wait3A_118 : memref<1x128x64xf32, #tpu.memory_space<vmem>> -> memref<128x64xf32, #tpu.memory_space<vmem>>
          %dma_wait3A_120 = arith.constant 0 : i32
          %dma_wait3A_121 = tpu.memref_slice %arg20[%scan3A_74, %dma_wait3A_120] : memref<147x128xi32, #tpu.memory_space<vmem>> -> memref<1x128xi32, #tpu.memory_space<vmem>>
          %dma_wait3A_122 = tpu.memref_squeeze %dma_wait3A_121 : memref<1x128xi32, #tpu.memory_space<vmem>> -> memref<128xi32, #tpu.memory_space<vmem>>
          %dma_wait3A_123 = arith.constant 0 : i32
          %dma_wait3A_124 = arith.constant 0 : i32
          %dma_wait3A_125 = tpu.memref_slice %arg23[%dma_wait3A_123, %dma_wait3A_124] : memref<10240x64xf32, #tpu.memory_space<vmem_shared>> -> memref<10240x64xf32, #tpu.memory_space<vmem_shared>>
          tpu.wait_indirect_dma semaphore(%arg26 : memref<!tpu.dma_semaphore, #tpu.memory_space<semaphore_mem>>) src(%dma_wait3A_119 : memref<128x64xf32, #tpu.memory_space<vmem>>) dst(%dma_wait3A_125 : memref<10240x64xf32, #tpu.memory_space<vmem_shared>>)
        } else {
        }
        %add3A_99 = arith.constant 1 : i32
        %add3A_100 = arith.addi %scan3A_74, %add3A_99 : i32
        %lt3A_101 = arith.constant 147 : i32
        %lt3A_102 = arith.cmpi slt, %add3A_100, %lt3A_101 : i32
        %convert_element_type3A_103 = arith.extui %lt3A_102 : i1 to i32
        %cond3A_104 = arith.constant 0 : i32
        %cond3A_105 = arith.cmpi ne, %convert_element_type3A_103, %cond3A_104 : i32
        scf.if %cond3A_105 {
          %add3A_116 = arith.constant 1 : i32
          %add3A_117 = arith.addi %scan3A_74, %add3A_116 : i32
          %dma_start3A_118 = arith.constant 0 : i32
          %dma_start3A_119 = arith.constant 0 : i32
          %dma_start3A_120 = tpu.memref_slice %arg21[%sub3A_84, %dma_start3A_118, %dma_start3A_119] : memref<2x128x64xf32, #tpu.memory_space<vmem>> -> memref<1x128x64xf32, #tpu.memory_space<vmem>>
          %dma_start3A_121 = tpu.memref_squeeze %dma_start3A_120 : memref<1x128x64xf32, #tpu.memory_space<vmem>> -> memref<128x64xf32, #tpu.memory_space<vmem>>
          %dma_start3A_122 = arith.constant 0 : i32
          %dma_start3A_123 = tpu.memref_slice %arg19[%add3A_117, %dma_start3A_122] : memref<147x128xi32, #tpu.memory_space<vmem>> -> memref<1x128xi32, #tpu.memory_space<vmem>>
          %dma_start3A_124 = tpu.memref_squeeze %dma_start3A_123 : memref<1x128xi32, #tpu.memory_space<vmem>> -> memref<128xi32, #tpu.memory_space<vmem>>
          %dma_start3A_125 = arith.constant 0 : i32
          %dma_start3A_126 = arith.constant 0 : i32
          %dma_start3A_127 = tpu.memref_slice %arg3[%dma_start3A_125, %dma_start3A_126] : memref<10000x64xf32, #tpu.memory_space<hbm>> -> memref<10000x64xf32, #tpu.memory_space<hbm>>
          tpu.enqueue_indirect_dma source(%dma_start3A_127 : memref<10000x64xf32, #tpu.memory_space<hbm>>) target(%dma_start3A_121 : memref<128x64xf32, #tpu.memory_space<vmem>>) offsets(%dma_start3A_124 : memref<128xi32, #tpu.memory_space<vmem>>) semaphore(%arg25 : memref<!tpu.dma_semaphore, #tpu.memory_space<semaphore_mem>>)
        } else {
        }
        %dma_start3A_106 = arith.constant 0 : i32
        %dma_start3A_107 = arith.constant 0 : i32
        %dma_start3A_108 = tpu.memref_slice %arg21[%select_n3A_83, %dma_start3A_106, %dma_start3A_107] : memref<2x128x64xf32, #tpu.memory_space<vmem>> -> memref<1x128x64xf32, #tpu.memory_space<vmem>>
        %dma_start3A_109 = tpu.memref_squeeze %dma_start3A_108 : memref<1x128x64xf32, #tpu.memory_space<vmem>> -> memref<128x64xf32, #tpu.memory_space<vmem>>
        %dma_start3A_110 = arith.constant 0 : i32
        %dma_start3A_111 = tpu.memref_slice %arg20[%scan3A_74, %dma_start3A_110] : memref<147x128xi32, #tpu.memory_space<vmem>> -> memref<1x128xi32, #tpu.memory_space<vmem>>
        %dma_start3A_112 = tpu.memref_squeeze %dma_start3A_111 : memref<1x128xi32, #tpu.memory_space<vmem>> -> memref<128xi32, #tpu.memory_space<vmem>>
        %dma_start3A_113 = arith.constant 0 : i32
        %dma_start3A_114 = arith.constant 0 : i32
        %dma_start3A_115 = tpu.memref_slice %arg23[%dma_start3A_113, %dma_start3A_114] : memref<10240x64xf32, #tpu.memory_space<vmem_shared>> -> memref<10240x64xf32, #tpu.memory_space<vmem_shared>>
        tpu.enqueue_indirect_dma source(%dma_start3A_109 : memref<128x64xf32, #tpu.memory_space<vmem>>) target(%dma_start3A_115 : memref<10240x64xf32, #tpu.memory_space<vmem_shared>>) offsets(%dma_start3A_112 : memref<128xi32, #tpu.memory_space<vmem>>) semaphore(%arg26 : memref<!tpu.dma_semaphore, #tpu.memory_space<semaphore_mem>>) {add = true}
      }
      %scan3A_60 = arith.constant 147 : i32
      %dma_wait3A_61 = arith.constant 0 : i32
      %dma_wait3A_62 = arith.constant 146 : i32
      %dma_wait3A_63 = arith.constant 0 : i32
      %dma_wait3A_64 = arith.constant 0 : i32
      %dma_wait3A_65 = tpu.memref_slice %arg21[%dma_wait3A_61, %dma_wait3A_63, %dma_wait3A_64] : memref<2x128x64xf32, #tpu.memory_space<vmem>> -> memref<1x128x64xf32, #tpu.memory_space<vmem>>
      %dma_wait3A_66 = tpu.memref_squeeze %dma_wait3A_65 : memref<1x128x64xf32, #tpu.memory_space<vmem>> -> memref<128x64xf32, #tpu.memory_space<vmem>>
      %dma_wait3A_67 = arith.constant 0 : i32
      %dma_wait3A_68 = tpu.memref_slice %arg20[%dma_wait3A_62, %dma_wait3A_67] : memref<147x128xi32, #tpu.memory_space<vmem>> -> memref<1x128xi32, #tpu.memory_space<vmem>>
      %dma_wait3A_69 = tpu.memref_squeeze %dma_wait3A_68 : memref<1x128xi32, #tpu.memory_space<vmem>> -> memref<128xi32, #tpu.memory_space<vmem>>
      %dma_wait3A_70 = arith.constant 0 : i32
      %dma_wait3A_71 = arith.constant 0 : i32
      %dma_wait3A_72 = tpu.memref_slice %arg23[%dma_wait3A_70, %dma_wait3A_71] : memref<10240x64xf32, #tpu.memory_space<vmem_shared>> -> memref<10240x64xf32, #tpu.memory_space<vmem_shared>>
      tpu.wait_indirect_dma semaphore(%arg26 : memref<!tpu.dma_semaphore, #tpu.memory_space<semaphore_mem>>) src(%dma_wait3A_66 : memref<128x64xf32, #tpu.memory_space<vmem>>) dst(%dma_wait3A_72 : memref<10240x64xf32, #tpu.memory_space<vmem_shared>>)
      %barrier3A_73 = arith.constant 0 : index
      tpu.barrier barrier_id(%barrier3A_73)
      "tpu.region"() ({
        %run_scoped3A = tpu.sem_alloc : memref<!tpu.dma_semaphore, #tpu.memory_space<semaphore_mem>>
        %dma_start3A_74 = arith.constant 0 : i32
        %dma_start3A_75 = tpu.memref_slice %arg14[%mul3A_0, %dma_start3A_74] : memref<10240x64xf32, #tpu.memory_space<hbm>> -> memref<640x64xf32, #tpu.memory_space<hbm>>
        %dma_start3A_76 = arith.constant 0 : i32
        %dma_start3A_77 = tpu.memref_slice %arg23[%mul3A_0, %dma_start3A_76] : memref<10240x64xf32, #tpu.memory_space<vmem_shared>> -> memref<640x64xf32, #tpu.memory_space<vmem_shared>>
        tpu.enqueue_dma source(%dma_start3A_77 : memref<640x64xf32, #tpu.memory_space<vmem_shared>>) target(%dma_start3A_75 : memref<640x64xf32, #tpu.memory_space<hbm>>) target_semaphore(%run_scoped3A : memref<!tpu.dma_semaphore, #tpu.memory_space<semaphore_mem>>)
        %dma_wait3A_78 = arith.constant 0 : i32
        %dma_wait3A_79 = tpu.memref_slice %arg14[%mul3A_0, %dma_wait3A_78] : memref<10240x64xf32, #tpu.memory_space<hbm>> -> memref<640x64xf32, #tpu.memory_space<hbm>>
        %dma_wait3A_80 = arith.constant 0 : i32
        %dma_wait3A_81 = tpu.memref_slice %arg23[%mul3A_0, %dma_wait3A_80] : memref<10240x64xf32, #tpu.memory_space<vmem_shared>> -> memref<640x64xf32, #tpu.memory_space<vmem_shared>>
        tpu.wait_dma2 semaphore(%run_scoped3A : memref<!tpu.dma_semaphore, #tpu.memory_space<semaphore_mem>>) src(%dma_wait3A_81 : memref<640x64xf32, #tpu.memory_space<vmem_shared>>) dst(%dma_wait3A_79 : memref<640x64xf32, #tpu.memory_space<hbm>>)
        tpu.yield
      }) : () -> ()
    } else {
    }
    %eq3A_3 = arith.constant 1 : i32
    %eq3A_4 = arith.cmpi eq, %arg0, %eq3A_3 : i32
    %convert_element_type3A_5 = arith.extui %eq3A_4 : i1 to i32
    %cond3A_6 = arith.constant 0 : i32
    %cond3A_7 = arith.cmpi ne, %convert_element_type3A_5, %cond3A_6 : i32
    scf.if %cond3A_7 {
      "tpu.region"() ({
        %run_scoped3A = tpu.sem_alloc : memref<!tpu.dma_semaphore, #tpu.memory_space<semaphore_mem>>
        %dma_start3A_74 = arith.constant 0 : i32
        %dma_start3A_75 = arith.constant 0 : i32
        %dma_start3A_76 = tpu.memref_slice %arg8[%arg1, %dma_start3A_74, %dma_start3A_75] : memref<16x147x128xi32, #tpu.memory_space<hbm>> -> memref<1x147x128xi32, #tpu.memory_space<hbm>>
        %dma_start3A_77 = tpu.memref_squeeze %dma_start3A_76 : memref<1x147x128xi32, #tpu.memory_space<hbm>> -> memref<147x128xi32, #tpu.memory_space<hbm>>
        %dma_start3A_78 = arith.constant 0 : i32
        %dma_start3A_79 = arith.constant 0 : i32
        %dma_start3A_80 = tpu.memref_slice %arg8[%arg1, %dma_start3A_78, %dma_start3A_79] : memref<16x147x128xi32, #tpu.memory_space<hbm>> -> memref<1x147x128xi32, #tpu.memory_space<hbm>>
        %dma_start3A_81 = tpu.memref_squeeze %dma_start3A_80 : memref<1x147x128xi32, #tpu.memory_space<hbm>> -> memref<147x128xi32, #tpu.memory_space<hbm>>
        tpu.enqueue_dma source(%dma_start3A_81 : memref<147x128xi32, #tpu.memory_space<hbm>>) target(%arg19 : memref<147x128xi32, #tpu.memory_space<vmem>>) target_semaphore(%run_scoped3A : memref<!tpu.dma_semaphore, #tpu.memory_space<semaphore_mem>>)
        %dma_wait3A_82 = arith.constant 0 : i32
        %dma_wait3A_83 = arith.constant 0 : i32
        %dma_wait3A_84 = tpu.memref_slice %arg8[%arg1, %dma_wait3A_82, %dma_wait3A_83] : memref<16x147x128xi32, #tpu.memory_space<hbm>> -> memref<1x147x128xi32, #tpu.memory_space<hbm>>
        %dma_wait3A_85 = tpu.memref_squeeze %dma_wait3A_84 : memref<1x147x128xi32, #tpu.memory_space<hbm>> -> memref<147x128xi32, #tpu.memory_space<hbm>>
        %dma_wait3A_86 = arith.constant 0 : i32
        %dma_wait3A_87 = arith.constant 0 : i32
        %dma_wait3A_88 = tpu.memref_slice %arg8[%arg1, %dma_wait3A_86, %dma_wait3A_87] : memref<16x147x128xi32, #tpu.memory_space<hbm>> -> memref<1x147x128xi32, #tpu.memory_space<hbm>>
        %dma_wait3A_89 = tpu.memref_squeeze %dma_wait3A_88 : memref<1x147x128xi32, #tpu.memory_space<hbm>> -> memref<147x128xi32, #tpu.memory_space<hbm>>
        tpu.wait_dma2 semaphore(%run_scoped3A : memref<!tpu.dma_semaphore, #tpu.memory_space<semaphore_mem>>) src(%dma_wait3A_89 : memref<147x128xi32, #tpu.memory_space<hbm>>) dst(%arg19 : memref<147x128xi32, #tpu.memory_space<vmem>>)
        tpu.yield
      }) : () -> ()
      "tpu.region"() ({
        %run_scoped3A = tpu.sem_alloc : memref<!tpu.dma_semaphore, #tpu.memory_space<semaphore_mem>>
        %dma_start3A_74 = arith.constant 0 : i32
        %dma_start3A_75 = arith.constant 0 : i32
        %dma_start3A_76 = tpu.memref_slice %arg9[%arg1, %dma_start3A_74, %dma_start3A_75] : memref<16x147x128xi32, #tpu.memory_space<hbm>> -> memref<1x147x128xi32, #tpu.memory_space<hbm>>
        %dma_start3A_77 = tpu.memref_squeeze %dma_start3A_76 : memref<1x147x128xi32, #tpu.memory_space<hbm>> -> memref<147x128xi32, #tpu.memory_space<hbm>>
        %dma_start3A_78 = arith.constant 0 : i32
        %dma_start3A_79 = arith.constant 0 : i32
        %dma_start3A_80 = tpu.memref_slice %arg9[%arg1, %dma_start3A_78, %dma_start3A_79] : memref<16x147x128xi32, #tpu.memory_space<hbm>> -> memref<1x147x128xi32, #tpu.memory_space<hbm>>
        %dma_start3A_81 = tpu.memref_squeeze %dma_start3A_80 : memref<1x147x128xi32, #tpu.memory_space<hbm>> -> memref<147x128xi32, #tpu.memory_space<hbm>>
        tpu.enqueue_dma source(%dma_start3A_81 : memref<147x128xi32, #tpu.memory_space<hbm>>) target(%arg20 : memref<147x128xi32, #tpu.memory_space<vmem>>) target_semaphore(%run_scoped3A : memref<!tpu.dma_semaphore, #tpu.memory_space<semaphore_mem>>)
        %dma_wait3A_82 = arith.constant 0 : i32
        %dma_wait3A_83 = arith.constant 0 : i32
        %dma_wait3A_84 = tpu.memref_slice %arg9[%arg1, %dma_wait3A_82, %dma_wait3A_83] : memref<16x147x128xi32, #tpu.memory_space<hbm>> -> memref<1x147x128xi32, #tpu.memory_space<hbm>>
        %dma_wait3A_85 = tpu.memref_squeeze %dma_wait3A_84 : memref<1x147x128xi32, #tpu.memory_space<hbm>> -> memref<147x128xi32, #tpu.memory_space<hbm>>
        %dma_wait3A_86 = arith.constant 0 : i32
        %dma_wait3A_87 = arith.constant 0 : i32
        %dma_wait3A_88 = tpu.memref_slice %arg9[%arg1, %dma_wait3A_86, %dma_wait3A_87] : memref<16x147x128xi32, #tpu.memory_space<hbm>> -> memref<1x147x128xi32, #tpu.memory_space<hbm>>
        %dma_wait3A_89 = tpu.memref_squeeze %dma_wait3A_88 : memref<1x147x128xi32, #tpu.memory_space<hbm>> -> memref<147x128xi32, #tpu.memory_space<hbm>>
        tpu.wait_dma2 semaphore(%run_scoped3A : memref<!tpu.dma_semaphore, #tpu.memory_space<semaphore_mem>>) src(%dma_wait3A_89 : memref<147x128xi32, #tpu.memory_space<hbm>>) dst(%arg20 : memref<147x128xi32, #tpu.memory_space<vmem>>)
        tpu.yield
      }) : () -> ()
      "tpu.region"() ({
        %run_scoped3A = tpu.sem_alloc : memref<!tpu.dma_semaphore, #tpu.memory_space<semaphore_mem>>
        tpu.enqueue_dma source(%arg12 : memref<128x8xf32, #tpu.memory_space<hbm>>) target(%arg22 : memref<128x8xf32, #tpu.memory_space<vmem>>) target_semaphore(%run_scoped3A : memref<!tpu.dma_semaphore, #tpu.memory_space<semaphore_mem>>)
        tpu.wait_dma2 semaphore(%run_scoped3A : memref<!tpu.dma_semaphore, #tpu.memory_space<semaphore_mem>>) src(%arg12 : memref<128x8xf32, #tpu.memory_space<hbm>>) dst(%arg22 : memref<128x8xf32, #tpu.memory_space<vmem>>)
        tpu.yield
      }) : () -> ()
      "tpu.region"() ({
        %run_scoped3A = tpu.sem_alloc : memref<!tpu.dma_semaphore, #tpu.memory_space<semaphore_mem>>
        %dma_start3A_74 = arith.constant 0 : i32
        %dma_start3A_75 = tpu.memref_slice %arg23[%mul3A_0, %dma_start3A_74] : memref<10240x64xf32, #tpu.memory_space<vmem_shared>> -> memref<640x64xf32, #tpu.memory_space<vmem_shared>>
        %dma_start3A_76 = arith.constant 0 : i32
        %dma_start3A_77 = tpu.memref_slice %arg10[%mul3A_0, %dma_start3A_76] : memref<10240x64xf32, #tpu.memory_space<hbm>> -> memref<640x64xf32, #tpu.memory_space<hbm>>
        tpu.enqueue_dma source(%dma_start3A_77 : memref<640x64xf32, #tpu.memory_space<hbm>>) target(%dma_start3A_75 : memref<640x64xf32, #tpu.memory_space<vmem_shared>>) target_semaphore(%run_scoped3A : memref<!tpu.dma_semaphore, #tpu.memory_space<semaphore_mem>>)
        %dma_wait3A_78 = arith.constant 0 : i32
        %dma_wait3A_79 = tpu.memref_slice %arg23[%mul3A_0, %dma_wait3A_78] : memref<10240x64xf32, #tpu.memory_space<vmem_shared>> -> memref<640x64xf32, #tpu.memory_space<vmem_shared>>
        %dma_wait3A_80 = arith.constant 0 : i32
        %dma_wait3A_81 = tpu.memref_slice %arg10[%mul3A_0, %dma_wait3A_80] : memref<10240x64xf32, #tpu.memory_space<hbm>> -> memref<640x64xf32, #tpu.memory_space<hbm>>
        tpu.wait_dma2 semaphore(%run_scoped3A : memref<!tpu.dma_semaphore, #tpu.memory_space<semaphore_mem>>) src(%dma_wait3A_81 : memref<640x64xf32, #tpu.memory_space<hbm>>) dst(%dma_wait3A_79 : memref<640x64xf32, #tpu.memory_space<vmem_shared>>)
        tpu.yield
      }) : () -> ()
      "tpu.region"() ({
        %run_scoped3A = tpu.sem_alloc : memref<!tpu.dma_semaphore, #tpu.memory_space<semaphore_mem>>
        %dma_start3A_74 = arith.constant 0 : i32
        %dma_start3A_75 = tpu.memref_slice %arg24[%mul3A_0, %dma_start3A_74] : memref<10240x8xf32, #tpu.memory_space<vmem_shared>> -> memref<640x8xf32, #tpu.memory_space<vmem_shared>>
        %dma_start3A_76 = arith.constant 0 : i32
        %dma_start3A_77 = tpu.memref_slice %arg11[%mul3A_0, %dma_start3A_76] : memref<10240x8xf32, #tpu.memory_space<hbm>> -> memref<640x8xf32, #tpu.memory_space<hbm>>
        tpu.enqueue_dma source(%dma_start3A_77 : memref<640x8xf32, #tpu.memory_space<hbm>>) target(%dma_start3A_75 : memref<640x8xf32, #tpu.memory_space<vmem_shared>>) target_semaphore(%run_scoped3A : memref<!tpu.dma_semaphore, #tpu.memory_space<semaphore_mem>>)
        %dma_wait3A_78 = arith.constant 0 : i32
        %dma_wait3A_79 = tpu.memref_slice %arg24[%mul3A_0, %dma_wait3A_78] : memref<10240x8xf32, #tpu.memory_space<vmem_shared>> -> memref<640x8xf32, #tpu.memory_space<vmem_shared>>
        %dma_wait3A_80 = arith.constant 0 : i32
        %dma_wait3A_81 = tpu.memref_slice %arg11[%mul3A_0, %dma_wait3A_80] : memref<10240x8xf32, #tpu.memory_space<hbm>> -> memref<640x8xf32, #tpu.memory_space<hbm>>
        tpu.wait_dma2 semaphore(%run_scoped3A : memref<!tpu.dma_semaphore, #tpu.memory_space<semaphore_mem>>) src(%dma_wait3A_81 : memref<640x8xf32, #tpu.memory_space<hbm>>) dst(%dma_wait3A_79 : memref<640x8xf32, #tpu.memory_space<vmem_shared>>)
        tpu.yield
      }) : () -> ()
      %barrier3A = arith.constant 0 : index
      tpu.barrier barrier_id(%barrier3A)
      %dma_start3A = arith.constant 0 : i32
      %dma_start3A_8 = arith.constant 0 : i32
      %dma_start3A_9 = arith.constant 0 : i32
      %dma_start3A_10 = arith.constant 0 : i32
      %dma_start3A_11 = tpu.memref_slice %arg21[%dma_start3A_8, %dma_start3A_9, %dma_start3A_10] : memref<2x128x64xf32, #tpu.memory_space<vmem>> -> memref<1x128x64xf32, #tpu.memory_space<vmem>>
      %dma_start3A_12 = tpu.memref_squeeze %dma_start3A_11 : memref<1x128x64xf32, #tpu.memory_space<vmem>> -> memref<128x64xf32, #tpu.memory_space<vmem>>
      %dma_start3A_13 = arith.constant 0 : i32
      %dma_start3A_14 = tpu.memref_slice %arg19[%dma_start3A, %dma_start3A_13] : memref<147x128xi32, #tpu.memory_space<vmem>> -> memref<1x128xi32, #tpu.memory_space<vmem>>
      %dma_start3A_15 = tpu.memref_squeeze %dma_start3A_14 : memref<1x128xi32, #tpu.memory_space<vmem>> -> memref<128xi32, #tpu.memory_space<vmem>>
      %dma_start3A_16 = arith.constant 0 : i32
      %dma_start3A_17 = arith.constant 0 : i32
      %dma_start3A_18 = tpu.memref_slice %arg4[%dma_start3A_16, %dma_start3A_17] : memref<10000x64xf32, #tpu.memory_space<hbm>> -> memref<10000x64xf32, #tpu.memory_space<hbm>>
      tpu.enqueue_indirect_dma source(%dma_start3A_18 : memref<10000x64xf32, #tpu.memory_space<hbm>>) target(%dma_start3A_12 : memref<128x64xf32, #tpu.memory_space<vmem>>) offsets(%dma_start3A_15 : memref<128xi32, #tpu.memory_space<vmem>>) semaphore(%arg25 : memref<!tpu.dma_semaphore, #tpu.memory_space<semaphore_mem>>)
      %scan3A = arith.constant 0 : i32
      %scan3A_19 = arith.constant 0 : i32
      %scan3A_20 = arith.constant 147 : i32
      %scan3A_21 = arith.addi %scan3A_19, %scan3A_20 : i32
      %scan3A_22 = arith.constant 1 : i32
      scf.for %scan3A_74 = %scan3A_19 to %scan3A_21 step %scan3A_22  : i32 {
        %jit3A = arith.constant 2 : i32
        %eq3A_75 = arith.constant 0 : i32
        %eq3A_76 = arith.cmpi eq, %jit3A, %eq3A_75 : i32
        %jit3A_77 = arith.constant 1 : i32
        %select_n3A = arith.select %eq3A_76, %jit3A_77, %jit3A : i32
        %rem3A = arith.remsi %scan3A_74, %select_n3A : i32
        %ne3A = arith.constant 0 : i32
        %ne3A_78 = arith.cmpi ne, %rem3A, %ne3A : i32
        %lt3A = arith.constant 0 : i32
        %lt3A_79 = arith.cmpi slt, %rem3A, %lt3A : i32
        %lt3A_80 = arith.constant 0 : i32
        %lt3A_81 = arith.cmpi slt, %select_n3A, %lt3A_80 : i32
        %ne3A_82 = arith.xori %lt3A_79, %lt3A_81 : i1
        %and3A = arith.andi %ne3A_82, %ne3A_78 : i1
        %add3A = arith.addi %rem3A, %select_n3A : i32
        %select_n3A_83 = arith.select %and3A, %add3A, %rem3A : i32
        %sub3A = arith.constant 1 : i32
        %sub3A_84 = arith.subi %sub3A, %select_n3A_83 : i32
        %dma_wait3A_85 = arith.constant 0 : i32
        %dma_wait3A_86 = arith.constant 0 : i32
        %dma_wait3A_87 = tpu.memref_slice %arg21[%select_n3A_83, %dma_wait3A_85, %dma_wait3A_86] : memref<2x128x64xf32, #tpu.memory_space<vmem>> -> memref<1x128x64xf32, #tpu.memory_space<vmem>>
        %dma_wait3A_88 = tpu.memref_squeeze %dma_wait3A_87 : memref<1x128x64xf32, #tpu.memory_space<vmem>> -> memref<128x64xf32, #tpu.memory_space<vmem>>
        %dma_wait3A_89 = arith.constant 0 : i32
        %dma_wait3A_90 = tpu.memref_slice %arg19[%scan3A_74, %dma_wait3A_89] : memref<147x128xi32, #tpu.memory_space<vmem>> -> memref<1x128xi32, #tpu.memory_space<vmem>>
        %dma_wait3A_91 = tpu.memref_squeeze %dma_wait3A_90 : memref<1x128xi32, #tpu.memory_space<vmem>> -> memref<128xi32, #tpu.memory_space<vmem>>
        %dma_wait3A_92 = arith.constant 0 : i32
        %dma_wait3A_93 = arith.constant 0 : i32
        %dma_wait3A_94 = tpu.memref_slice %arg4[%dma_wait3A_92, %dma_wait3A_93] : memref<10000x64xf32, #tpu.memory_space<hbm>> -> memref<10000x64xf32, #tpu.memory_space<hbm>>
        tpu.wait_indirect_dma semaphore(%arg25 : memref<!tpu.dma_semaphore, #tpu.memory_space<semaphore_mem>>) src(%dma_wait3A_94 : memref<10000x64xf32, #tpu.memory_space<hbm>>) dst(%dma_wait3A_88 : memref<128x64xf32, #tpu.memory_space<vmem>>)
        %ge3A = arith.constant 1 : i32
        %ge3A_95 = arith.cmpi sge, %scan3A_74, %ge3A : i32
        %convert_element_type3A_96 = arith.extui %ge3A_95 : i1 to i32
        %cond3A_97 = arith.constant 0 : i32
        %cond3A_98 = arith.cmpi ne, %convert_element_type3A_96, %cond3A_97 : i32
        scf.if %cond3A_98 {
          %dma_wait3A_122 = arith.constant 0 : i32
          %dma_wait3A_123 = arith.constant 0 : i32
          %dma_wait3A_124 = tpu.memref_slice %arg21[%sub3A_84, %dma_wait3A_122, %dma_wait3A_123] : memref<2x128x64xf32, #tpu.memory_space<vmem>> -> memref<1x128x64xf32, #tpu.memory_space<vmem>>
          %dma_wait3A_125 = tpu.memref_squeeze %dma_wait3A_124 : memref<1x128x64xf32, #tpu.memory_space<vmem>> -> memref<128x64xf32, #tpu.memory_space<vmem>>
          %dma_wait3A_126 = arith.constant 0 : i32
          %dma_wait3A_127 = tpu.memref_slice %arg20[%scan3A_74, %dma_wait3A_126] : memref<147x128xi32, #tpu.memory_space<vmem>> -> memref<1x128xi32, #tpu.memory_space<vmem>>
          %dma_wait3A_128 = tpu.memref_squeeze %dma_wait3A_127 : memref<1x128xi32, #tpu.memory_space<vmem>> -> memref<128xi32, #tpu.memory_space<vmem>>
          %dma_wait3A_129 = arith.constant 0 : i32
          %dma_wait3A_130 = arith.constant 0 : i32
          %dma_wait3A_131 = tpu.memref_slice %arg23[%dma_wait3A_129, %dma_wait3A_130] : memref<10240x64xf32, #tpu.memory_space<vmem_shared>> -> memref<10240x64xf32, #tpu.memory_space<vmem_shared>>
          tpu.wait_indirect_dma semaphore(%arg26 : memref<!tpu.dma_semaphore, #tpu.memory_space<semaphore_mem>>) src(%dma_wait3A_125 : memref<128x64xf32, #tpu.memory_space<vmem>>) dst(%dma_wait3A_131 : memref<10240x64xf32, #tpu.memory_space<vmem_shared>>)
        } else {
        }
        %add3A_99 = arith.constant 1 : i32
        %add3A_100 = arith.addi %scan3A_74, %add3A_99 : i32
        %lt3A_101 = arith.constant 147 : i32
        %lt3A_102 = arith.cmpi slt, %add3A_100, %lt3A_101 : i32
        %convert_element_type3A_103 = arith.extui %lt3A_102 : i1 to i32
        %cond3A_104 = arith.constant 0 : i32
        %cond3A_105 = arith.cmpi ne, %convert_element_type3A_103, %cond3A_104 : i32
        scf.if %cond3A_105 {
          %add3A_122 = arith.constant 1 : i32
          %add3A_123 = arith.addi %scan3A_74, %add3A_122 : i32
          %dma_start3A_124 = arith.constant 0 : i32
          %dma_start3A_125 = arith.constant 0 : i32
          %dma_start3A_126 = tpu.memref_slice %arg21[%sub3A_84, %dma_start3A_124, %dma_start3A_125] : memref<2x128x64xf32, #tpu.memory_space<vmem>> -> memref<1x128x64xf32, #tpu.memory_space<vmem>>
          %dma_start3A_127 = tpu.memref_squeeze %dma_start3A_126 : memref<1x128x64xf32, #tpu.memory_space<vmem>> -> memref<128x64xf32, #tpu.memory_space<vmem>>
          %dma_start3A_128 = arith.constant 0 : i32
          %dma_start3A_129 = tpu.memref_slice %arg19[%add3A_123, %dma_start3A_128] : memref<147x128xi32, #tpu.memory_space<vmem>> -> memref<1x128xi32, #tpu.memory_space<vmem>>
          %dma_start3A_130 = tpu.memref_squeeze %dma_start3A_129 : memref<1x128xi32, #tpu.memory_space<vmem>> -> memref<128xi32, #tpu.memory_space<vmem>>
          %dma_start3A_131 = arith.constant 0 : i32
          %dma_start3A_132 = arith.constant 0 : i32
          %dma_start3A_133 = tpu.memref_slice %arg4[%dma_start3A_131, %dma_start3A_132] : memref<10000x64xf32, #tpu.memory_space<hbm>> -> memref<10000x64xf32, #tpu.memory_space<hbm>>
          tpu.enqueue_indirect_dma source(%dma_start3A_133 : memref<10000x64xf32, #tpu.memory_space<hbm>>) target(%dma_start3A_127 : memref<128x64xf32, #tpu.memory_space<vmem>>) offsets(%dma_start3A_130 : memref<128xi32, #tpu.memory_space<vmem>>) semaphore(%arg25 : memref<!tpu.dma_semaphore, #tpu.memory_space<semaphore_mem>>)
        } else {
        }
        %dma_start3A_106 = arith.constant 0 : i32
        %dma_start3A_107 = arith.constant 0 : i32
        %dma_start3A_108 = tpu.memref_slice %arg21[%select_n3A_83, %dma_start3A_106, %dma_start3A_107] : memref<2x128x64xf32, #tpu.memory_space<vmem>> -> memref<1x128x64xf32, #tpu.memory_space<vmem>>
        %dma_start3A_109 = tpu.memref_squeeze %dma_start3A_108 : memref<1x128x64xf32, #tpu.memory_space<vmem>> -> memref<128x64xf32, #tpu.memory_space<vmem>>
        %dma_start3A_110 = arith.constant 0 : i32
        %dma_start3A_111 = tpu.memref_slice %arg20[%scan3A_74, %dma_start3A_110] : memref<147x128xi32, #tpu.memory_space<vmem>> -> memref<1x128xi32, #tpu.memory_space<vmem>>
        %dma_start3A_112 = tpu.memref_squeeze %dma_start3A_111 : memref<1x128xi32, #tpu.memory_space<vmem>> -> memref<128xi32, #tpu.memory_space<vmem>>
        %dma_start3A_113 = arith.constant 0 : i32
        %dma_start3A_114 = arith.constant 0 : i32
        %dma_start3A_115 = tpu.memref_slice %arg23[%dma_start3A_113, %dma_start3A_114] : memref<10240x64xf32, #tpu.memory_space<vmem_shared>> -> memref<10240x64xf32, #tpu.memory_space<vmem_shared>>
        tpu.enqueue_indirect_dma source(%dma_start3A_109 : memref<128x64xf32, #tpu.memory_space<vmem>>) target(%dma_start3A_115 : memref<10240x64xf32, #tpu.memory_space<vmem_shared>>) offsets(%dma_start3A_112 : memref<128xi32, #tpu.memory_space<vmem>>) semaphore(%arg26 : memref<!tpu.dma_semaphore, #tpu.memory_space<semaphore_mem>>) {add = true}
        %dma_start3A_116 = arith.constant 0 : i32
        %dma_start3A_117 = tpu.memref_slice %arg20[%scan3A_74, %dma_start3A_116] : memref<147x128xi32, #tpu.memory_space<vmem>> -> memref<1x128xi32, #tpu.memory_space<vmem>>
        %dma_start3A_118 = tpu.memref_squeeze %dma_start3A_117 : memref<1x128xi32, #tpu.memory_space<vmem>> -> memref<128xi32, #tpu.memory_space<vmem>>
        %dma_start3A_119 = arith.constant 0 : i32
        %dma_start3A_120 = arith.constant 0 : i32
        %dma_start3A_121 = tpu.memref_slice %arg24[%dma_start3A_119, %dma_start3A_120] : memref<10240x8xf32, #tpu.memory_space<vmem_shared>> -> memref<10240x8xf32, #tpu.memory_space<vmem_shared>>
        tpu.enqueue_indirect_dma source(%arg22 : memref<128x8xf32, #tpu.memory_space<vmem>>) target(%dma_start3A_121 : memref<10240x8xf32, #tpu.memory_space<vmem_shared>>) offsets(%dma_start3A_118 : memref<128xi32, #tpu.memory_space<vmem>>) semaphore(%arg27 : memref<!tpu.dma_semaphore, #tpu.memory_space<semaphore_mem>>) {add = true}
      }
      %scan3A_23 = arith.constant 147 : i32
      %dma_wait3A = arith.constant 0 : i32
      %dma_wait3A_24 = arith.constant 146 : i32
      %dma_wait3A_25 = arith.constant 0 : i32
      %dma_wait3A_26 = arith.constant 0 : i32
      %dma_wait3A_27 = tpu.memref_slice %arg21[%dma_wait3A, %dma_wait3A_25, %dma_wait3A_26] : memref<2x128x64xf32, #tpu.memory_space<vmem>> -> memref<1x128x64xf32, #tpu.memory_space<vmem>>
      %dma_wait3A_28 = tpu.memref_squeeze %dma_wait3A_27 : memref<1x128x64xf32, #tpu.memory_space<vmem>> -> memref<128x64xf32, #tpu.memory_space<vmem>>
      %dma_wait3A_29 = arith.constant 0 : i32
      %dma_wait3A_30 = tpu.memref_slice %arg20[%dma_wait3A_24, %dma_wait3A_29] : memref<147x128xi32, #tpu.memory_space<vmem>> -> memref<1x128xi32, #tpu.memory_space<vmem>>
      %dma_wait3A_31 = tpu.memref_squeeze %dma_wait3A_30 : memref<1x128xi32, #tpu.memory_space<vmem>> -> memref<128xi32, #tpu.memory_space<vmem>>
      %dma_wait3A_32 = arith.constant 0 : i32
      %dma_wait3A_33 = arith.constant 0 : i32
      %dma_wait3A_34 = tpu.memref_slice %arg23[%dma_wait3A_32, %dma_wait3A_33] : memref<10240x64xf32, #tpu.memory_space<vmem_shared>> -> memref<10240x64xf32, #tpu.memory_space<vmem_shared>>
      tpu.wait_indirect_dma semaphore(%arg26 : memref<!tpu.dma_semaphore, #tpu.memory_space<semaphore_mem>>) src(%dma_wait3A_28 : memref<128x64xf32, #tpu.memory_space<vmem>>) dst(%dma_wait3A_34 : memref<10240x64xf32, #tpu.memory_space<vmem_shared>>)
      %scan3A_35 = arith.constant 0 : i32
      %scan3A_36 = arith.constant 0 : i32
      %scan3A_37 = arith.constant 147 : i32
      %scan3A_38 = arith.addi %scan3A_36, %scan3A_37 : i32
      %scan3A_39 = arith.constant 1 : i32
      scf.for %scan3A_74 = %scan3A_36 to %scan3A_38 step %scan3A_39  : i32 {
        %dma_wait3A_75 = arith.constant 0 : i32
        %dma_wait3A_76 = arith.constant 0 : i32
        %dma_wait3A_77 = tpu.memref_slice %arg20[%dma_wait3A_75, %dma_wait3A_76] : memref<147x128xi32, #tpu.memory_space<vmem>> -> memref<1x128xi32, #tpu.memory_space<vmem>>
        %dma_wait3A_78 = tpu.memref_squeeze %dma_wait3A_77 : memref<1x128xi32, #tpu.memory_space<vmem>> -> memref<128xi32, #tpu.memory_space<vmem>>
        %dma_wait3A_79 = arith.constant 0 : i32
        %dma_wait3A_80 = arith.constant 0 : i32
        %dma_wait3A_81 = tpu.memref_slice %arg24[%dma_wait3A_79, %dma_wait3A_80] : memref<10240x8xf32, #tpu.memory_space<vmem_shared>> -> memref<10240x8xf32, #tpu.memory_space<vmem_shared>>
        tpu.wait_indirect_dma semaphore(%arg27 : memref<!tpu.dma_semaphore, #tpu.memory_space<semaphore_mem>>) src(%arg22 : memref<128x8xf32, #tpu.memory_space<vmem>>) dst(%dma_wait3A_81 : memref<10240x8xf32, #tpu.memory_space<vmem_shared>>)
      }
      %scan3A_40 = arith.constant 147 : i32
      %barrier3A_41 = arith.constant 0 : index
      tpu.barrier barrier_id(%barrier3A_41)
      "tpu.region"() ({
        %run_scoped3A = tpu.sem_alloc : memref<!tpu.dma_semaphore, #tpu.memory_space<semaphore_mem>>
        %dma_start3A_74 = arith.constant 0 : i32
        %dma_start3A_75 = tpu.memref_slice %arg16[%mul3A_0, %dma_start3A_74] : memref<10240x64xf32, #tpu.memory_space<hbm>> -> memref<640x64xf32, #tpu.memory_space<hbm>>
        %dma_start3A_76 = arith.constant 0 : i32
        %dma_start3A_77 = tpu.memref_slice %arg23[%mul3A_0, %dma_start3A_76] : memref<10240x64xf32, #tpu.memory_space<vmem_shared>> -> memref<640x64xf32, #tpu.memory_space<vmem_shared>>
        tpu.enqueue_dma source(%dma_start3A_77 : memref<640x64xf32, #tpu.memory_space<vmem_shared>>) target(%dma_start3A_75 : memref<640x64xf32, #tpu.memory_space<hbm>>) target_semaphore(%run_scoped3A : memref<!tpu.dma_semaphore, #tpu.memory_space<semaphore_mem>>)
        %dma_wait3A_78 = arith.constant 0 : i32
        %dma_wait3A_79 = tpu.memref_slice %arg16[%mul3A_0, %dma_wait3A_78] : memref<10240x64xf32, #tpu.memory_space<hbm>> -> memref<640x64xf32, #tpu.memory_space<hbm>>
        %dma_wait3A_80 = arith.constant 0 : i32
        %dma_wait3A_81 = tpu.memref_slice %arg23[%mul3A_0, %dma_wait3A_80] : memref<10240x64xf32, #tpu.memory_space<vmem_shared>> -> memref<640x64xf32, #tpu.memory_space<vmem_shared>>
        tpu.wait_dma2 semaphore(%run_scoped3A : memref<!tpu.dma_semaphore, #tpu.memory_space<semaphore_mem>>) src(%dma_wait3A_81 : memref<640x64xf32, #tpu.memory_space<vmem_shared>>) dst(%dma_wait3A_79 : memref<640x64xf32, #tpu.memory_space<hbm>>)
        tpu.yield
      }) : () -> ()
      "tpu.region"() ({
        %run_scoped3A = tpu.sem_alloc : memref<!tpu.dma_semaphore, #tpu.memory_space<semaphore_mem>>
        %dma_start3A_74 = arith.constant 0 : i32
        %dma_start3A_75 = tpu.memref_slice %arg18[%mul3A_0, %dma_start3A_74] : memref<10240x8xf32, #tpu.memory_space<hbm>> -> memref<640x8xf32, #tpu.memory_space<hbm>>
        %dma_start3A_76 = arith.constant 0 : i32
        %dma_start3A_77 = tpu.memref_slice %arg24[%mul3A_0, %dma_start3A_76] : memref<10240x8xf32, #tpu.memory_space<vmem_shared>> -> memref<640x8xf32, #tpu.memory_space<vmem_shared>>
        tpu.enqueue_dma source(%dma_start3A_77 : memref<640x8xf32, #tpu.memory_space<vmem_shared>>) target(%dma_start3A_75 : memref<640x8xf32, #tpu.memory_space<hbm>>) target_semaphore(%run_scoped3A : memref<!tpu.dma_semaphore, #tpu.memory_space<semaphore_mem>>)
        %dma_wait3A_78 = arith.constant 0 : i32
        %dma_wait3A_79 = tpu.memref_slice %arg18[%mul3A_0, %dma_wait3A_78] : memref<10240x8xf32, #tpu.memory_space<hbm>> -> memref<640x8xf32, #tpu.memory_space<hbm>>
        %dma_wait3A_80 = arith.constant 0 : i32
        %dma_wait3A_81 = tpu.memref_slice %arg24[%mul3A_0, %dma_wait3A_80] : memref<10240x8xf32, #tpu.memory_space<vmem_shared>> -> memref<640x8xf32, #tpu.memory_space<vmem_shared>>
        tpu.wait_dma2 semaphore(%run_scoped3A : memref<!tpu.dma_semaphore, #tpu.memory_space<semaphore_mem>>) src(%dma_wait3A_81 : memref<640x8xf32, #tpu.memory_space<vmem_shared>>) dst(%dma_wait3A_79 : memref<640x8xf32, #tpu.memory_space<hbm>>)
        tpu.yield
      }) : () -> ()
      "tpu.region"() ({
        %run_scoped3A = tpu.sem_alloc : memref<!tpu.dma_semaphore, #tpu.memory_space<semaphore_mem>>
        %dma_start3A_74 = arith.constant 0 : i32
        %dma_start3A_75 = tpu.memref_slice %arg23[%mul3A_0, %dma_start3A_74] : memref<10240x64xf32, #tpu.memory_space<vmem_shared>> -> memref<640x64xf32, #tpu.memory_space<vmem_shared>>
        %dma_start3A_76 = arith.constant 0 : i32
        %dma_start3A_77 = tpu.memref_slice %arg10[%mul3A_0, %dma_start3A_76] : memref<10240x64xf32, #tpu.memory_space<hbm>> -> memref<640x64xf32, #tpu.memory_space<hbm>>
        tpu.enqueue_dma source(%dma_start3A_77 : memref<640x64xf32, #tpu.memory_space<hbm>>) target(%dma_start3A_75 : memref<640x64xf32, #tpu.memory_space<vmem_shared>>) target_semaphore(%run_scoped3A : memref<!tpu.dma_semaphore, #tpu.memory_space<semaphore_mem>>)
        %dma_wait3A_78 = arith.constant 0 : i32
        %dma_wait3A_79 = tpu.memref_slice %arg23[%mul3A_0, %dma_wait3A_78] : memref<10240x64xf32, #tpu.memory_space<vmem_shared>> -> memref<640x64xf32, #tpu.memory_space<vmem_shared>>
        %dma_wait3A_80 = arith.constant 0 : i32
        %dma_wait3A_81 = tpu.memref_slice %arg10[%mul3A_0, %dma_wait3A_80] : memref<10240x64xf32, #tpu.memory_space<hbm>> -> memref<640x64xf32, #tpu.memory_space<hbm>>
        tpu.wait_dma2 semaphore(%run_scoped3A : memref<!tpu.dma_semaphore, #tpu.memory_space<semaphore_mem>>) src(%dma_wait3A_81 : memref<640x64xf32, #tpu.memory_space<hbm>>) dst(%dma_wait3A_79 : memref<640x64xf32, #tpu.memory_space<vmem_shared>>)
        tpu.yield
      }) : () -> ()
      %barrier3A_42 = arith.constant 0 : index
      tpu.barrier barrier_id(%barrier3A_42)
      %dma_start3A_43 = arith.constant 0 : i32
      %dma_start3A_44 = arith.constant 0 : i32
      %dma_start3A_45 = arith.constant 0 : i32
      %dma_start3A_46 = arith.constant 0 : i32
      %dma_start3A_47 = tpu.memref_slice %arg21[%dma_start3A_44, %dma_start3A_45, %dma_start3A_46] : memref<2x128x64xf32, #tpu.memory_space<vmem>> -> memref<1x128x64xf32, #tpu.memory_space<vmem>>
      %dma_start3A_48 = tpu.memref_squeeze %dma_start3A_47 : memref<1x128x64xf32, #tpu.memory_space<vmem>> -> memref<128x64xf32, #tpu.memory_space<vmem>>
      %dma_start3A_49 = arith.constant 0 : i32
      %dma_start3A_50 = tpu.memref_slice %arg19[%dma_start3A_43, %dma_start3A_49] : memref<147x128xi32, #tpu.memory_space<vmem>> -> memref<1x128xi32, #tpu.memory_space<vmem>>
      %dma_start3A_51 = tpu.memref_squeeze %dma_start3A_50 : memref<1x128xi32, #tpu.memory_space<vmem>> -> memref<128xi32, #tpu.memory_space<vmem>>
      %dma_start3A_52 = arith.constant 0 : i32
      %dma_start3A_53 = arith.constant 0 : i32
      %dma_start3A_54 = tpu.memref_slice %arg5[%dma_start3A_52, %dma_start3A_53] : memref<10000x64xf32, #tpu.memory_space<hbm>> -> memref<10000x64xf32, #tpu.memory_space<hbm>>
      tpu.enqueue_indirect_dma source(%dma_start3A_54 : memref<10000x64xf32, #tpu.memory_space<hbm>>) target(%dma_start3A_48 : memref<128x64xf32, #tpu.memory_space<vmem>>) offsets(%dma_start3A_51 : memref<128xi32, #tpu.memory_space<vmem>>) semaphore(%arg25 : memref<!tpu.dma_semaphore, #tpu.memory_space<semaphore_mem>>)
      %scan3A_55 = arith.constant 0 : i32
      %scan3A_56 = arith.constant 0 : i32
      %scan3A_57 = arith.constant 147 : i32
      %scan3A_58 = arith.addi %scan3A_56, %scan3A_57 : i32
      %scan3A_59 = arith.constant 1 : i32
      scf.for %scan3A_74 = %scan3A_56 to %scan3A_58 step %scan3A_59  : i32 {
        %jit3A = arith.constant 2 : i32
        %eq3A_75 = arith.constant 0 : i32
        %eq3A_76 = arith.cmpi eq, %jit3A, %eq3A_75 : i32
        %jit3A_77 = arith.constant 1 : i32
        %select_n3A = arith.select %eq3A_76, %jit3A_77, %jit3A : i32
        %rem3A = arith.remsi %scan3A_74, %select_n3A : i32
        %ne3A = arith.constant 0 : i32
        %ne3A_78 = arith.cmpi ne, %rem3A, %ne3A : i32
        %lt3A = arith.constant 0 : i32
        %lt3A_79 = arith.cmpi slt, %rem3A, %lt3A : i32
        %lt3A_80 = arith.constant 0 : i32
        %lt3A_81 = arith.cmpi slt, %select_n3A, %lt3A_80 : i32
        %ne3A_82 = arith.xori %lt3A_79, %lt3A_81 : i1
        %and3A = arith.andi %ne3A_82, %ne3A_78 : i1
        %add3A = arith.addi %rem3A, %select_n3A : i32
        %select_n3A_83 = arith.select %and3A, %add3A, %rem3A : i32
        %sub3A = arith.constant 1 : i32
        %sub3A_84 = arith.subi %sub3A, %select_n3A_83 : i32
        %dma_wait3A_85 = arith.constant 0 : i32
        %dma_wait3A_86 = arith.constant 0 : i32
        %dma_wait3A_87 = tpu.memref_slice %arg21[%select_n3A_83, %dma_wait3A_85, %dma_wait3A_86] : memref<2x128x64xf32, #tpu.memory_space<vmem>> -> memref<1x128x64xf32, #tpu.memory_space<vmem>>
        %dma_wait3A_88 = tpu.memref_squeeze %dma_wait3A_87 : memref<1x128x64xf32, #tpu.memory_space<vmem>> -> memref<128x64xf32, #tpu.memory_space<vmem>>
        %dma_wait3A_89 = arith.constant 0 : i32
        %dma_wait3A_90 = tpu.memref_slice %arg19[%scan3A_74, %dma_wait3A_89] : memref<147x128xi32, #tpu.memory_space<vmem>> -> memref<1x128xi32, #tpu.memory_space<vmem>>
        %dma_wait3A_91 = tpu.memref_squeeze %dma_wait3A_90 : memref<1x128xi32, #tpu.memory_space<vmem>> -> memref<128xi32, #tpu.memory_space<vmem>>
        %dma_wait3A_92 = arith.constant 0 : i32
        %dma_wait3A_93 = arith.constant 0 : i32
        %dma_wait3A_94 = tpu.memref_slice %arg5[%dma_wait3A_92, %dma_wait3A_93] : memref<10000x64xf32, #tpu.memory_space<hbm>> -> memref<10000x64xf32, #tpu.memory_space<hbm>>
        tpu.wait_indirect_dma semaphore(%arg25 : memref<!tpu.dma_semaphore, #tpu.memory_space<semaphore_mem>>) src(%dma_wait3A_94 : memref<10000x64xf32, #tpu.memory_space<hbm>>) dst(%dma_wait3A_88 : memref<128x64xf32, #tpu.memory_space<vmem>>)
        %ge3A = arith.constant 1 : i32
        %ge3A_95 = arith.cmpi sge, %scan3A_74, %ge3A : i32
        %convert_element_type3A_96 = arith.extui %ge3A_95 : i1 to i32
        %cond3A_97 = arith.constant 0 : i32
        %cond3A_98 = arith.cmpi ne, %convert_element_type3A_96, %cond3A_97 : i32
        scf.if %cond3A_98 {
          %dma_wait3A_116 = arith.constant 0 : i32
          %dma_wait3A_117 = arith.constant 0 : i32
          %dma_wait3A_118 = tpu.memref_slice %arg21[%sub3A_84, %dma_wait3A_116, %dma_wait3A_117] : memref<2x128x64xf32, #tpu.memory_space<vmem>> -> memref<1x128x64xf32, #tpu.memory_space<vmem>>
          %dma_wait3A_119 = tpu.memref_squeeze %dma_wait3A_118 : memref<1x128x64xf32, #tpu.memory_space<vmem>> -> memref<128x64xf32, #tpu.memory_space<vmem>>
          %dma_wait3A_120 = arith.constant 0 : i32
          %dma_wait3A_121 = tpu.memref_slice %arg20[%scan3A_74, %dma_wait3A_120] : memref<147x128xi32, #tpu.memory_space<vmem>> -> memref<1x128xi32, #tpu.memory_space<vmem>>
          %dma_wait3A_122 = tpu.memref_squeeze %dma_wait3A_121 : memref<1x128xi32, #tpu.memory_space<vmem>> -> memref<128xi32, #tpu.memory_space<vmem>>
          %dma_wait3A_123 = arith.constant 0 : i32
          %dma_wait3A_124 = arith.constant 0 : i32
          %dma_wait3A_125 = tpu.memref_slice %arg23[%dma_wait3A_123, %dma_wait3A_124] : memref<10240x64xf32, #tpu.memory_space<vmem_shared>> -> memref<10240x64xf32, #tpu.memory_space<vmem_shared>>
          tpu.wait_indirect_dma semaphore(%arg26 : memref<!tpu.dma_semaphore, #tpu.memory_space<semaphore_mem>>) src(%dma_wait3A_119 : memref<128x64xf32, #tpu.memory_space<vmem>>) dst(%dma_wait3A_125 : memref<10240x64xf32, #tpu.memory_space<vmem_shared>>)
        } else {
        }
        %add3A_99 = arith.constant 1 : i32
        %add3A_100 = arith.addi %scan3A_74, %add3A_99 : i32
        %lt3A_101 = arith.constant 147 : i32
        %lt3A_102 = arith.cmpi slt, %add3A_100, %lt3A_101 : i32
        %convert_element_type3A_103 = arith.extui %lt3A_102 : i1 to i32
        %cond3A_104 = arith.constant 0 : i32
        %cond3A_105 = arith.cmpi ne, %convert_element_type3A_103, %cond3A_104 : i32
        scf.if %cond3A_105 {
          %add3A_116 = arith.constant 1 : i32
          %add3A_117 = arith.addi %scan3A_74, %add3A_116 : i32
          %dma_start3A_118 = arith.constant 0 : i32
          %dma_start3A_119 = arith.constant 0 : i32
          %dma_start3A_120 = tpu.memref_slice %arg21[%sub3A_84, %dma_start3A_118, %dma_start3A_119] : memref<2x128x64xf32, #tpu.memory_space<vmem>> -> memref<1x128x64xf32, #tpu.memory_space<vmem>>
          %dma_start3A_121 = tpu.memref_squeeze %dma_start3A_120 : memref<1x128x64xf32, #tpu.memory_space<vmem>> -> memref<128x64xf32, #tpu.memory_space<vmem>>
          %dma_start3A_122 = arith.constant 0 : i32
          %dma_start3A_123 = tpu.memref_slice %arg19[%add3A_117, %dma_start3A_122] : memref<147x128xi32, #tpu.memory_space<vmem>> -> memref<1x128xi32, #tpu.memory_space<vmem>>
          %dma_start3A_124 = tpu.memref_squeeze %dma_start3A_123 : memref<1x128xi32, #tpu.memory_space<vmem>> -> memref<128xi32, #tpu.memory_space<vmem>>
          %dma_start3A_125 = arith.constant 0 : i32
          %dma_start3A_126 = arith.constant 0 : i32
          %dma_start3A_127 = tpu.memref_slice %arg5[%dma_start3A_125, %dma_start3A_126] : memref<10000x64xf32, #tpu.memory_space<hbm>> -> memref<10000x64xf32, #tpu.memory_space<hbm>>
          tpu.enqueue_indirect_dma source(%dma_start3A_127 : memref<10000x64xf32, #tpu.memory_space<hbm>>) target(%dma_start3A_121 : memref<128x64xf32, #tpu.memory_space<vmem>>) offsets(%dma_start3A_124 : memref<128xi32, #tpu.memory_space<vmem>>) semaphore(%arg25 : memref<!tpu.dma_semaphore, #tpu.memory_space<semaphore_mem>>)
        } else {
        }
        %dma_start3A_106 = arith.constant 0 : i32
        %dma_start3A_107 = arith.constant 0 : i32
        %dma_start3A_108 = tpu.memref_slice %arg21[%select_n3A_83, %dma_start3A_106, %dma_start3A_107] : memref<2x128x64xf32, #tpu.memory_space<vmem>> -> memref<1x128x64xf32, #tpu.memory_space<vmem>>
        %dma_start3A_109 = tpu.memref_squeeze %dma_start3A_108 : memref<1x128x64xf32, #tpu.memory_space<vmem>> -> memref<128x64xf32, #tpu.memory_space<vmem>>
        %dma_start3A_110 = arith.constant 0 : i32
        %dma_start3A_111 = tpu.memref_slice %arg20[%scan3A_74, %dma_start3A_110] : memref<147x128xi32, #tpu.memory_space<vmem>> -> memref<1x128xi32, #tpu.memory_space<vmem>>
        %dma_start3A_112 = tpu.memref_squeeze %dma_start3A_111 : memref<1x128xi32, #tpu.memory_space<vmem>> -> memref<128xi32, #tpu.memory_space<vmem>>
        %dma_start3A_113 = arith.constant 0 : i32
        %dma_start3A_114 = arith.constant 0 : i32
        %dma_start3A_115 = tpu.memref_slice %arg23[%dma_start3A_113, %dma_start3A_114] : memref<10240x64xf32, #tpu.memory_space<vmem_shared>> -> memref<10240x64xf32, #tpu.memory_space<vmem_shared>>
        tpu.enqueue_indirect_dma source(%dma_start3A_109 : memref<128x64xf32, #tpu.memory_space<vmem>>) target(%dma_start3A_115 : memref<10240x64xf32, #tpu.memory_space<vmem_shared>>) offsets(%dma_start3A_112 : memref<128xi32, #tpu.memory_space<vmem>>) semaphore(%arg26 : memref<!tpu.dma_semaphore, #tpu.memory_space<semaphore_mem>>) {add = true}
      }
      %scan3A_60 = arith.constant 147 : i32
      %dma_wait3A_61 = arith.constant 0 : i32
      %dma_wait3A_62 = arith.constant 146 : i32
      %dma_wait3A_63 = arith.constant 0 : i32
      %dma_wait3A_64 = arith.constant 0 : i32
      %dma_wait3A_65 = tpu.memref_slice %arg21[%dma_wait3A_61, %dma_wait3A_63, %dma_wait3A_64] : memref<2x128x64xf32, #tpu.memory_space<vmem>> -> memref<1x128x64xf32, #tpu.memory_space<vmem>>
      %dma_wait3A_66 = tpu.memref_squeeze %dma_wait3A_65 : memref<1x128x64xf32, #tpu.memory_space<vmem>> -> memref<128x64xf32, #tpu.memory_space<vmem>>
      %dma_wait3A_67 = arith.constant 0 : i32
      %dma_wait3A_68 = tpu.memref_slice %arg20[%dma_wait3A_62, %dma_wait3A_67] : memref<147x128xi32, #tpu.memory_space<vmem>> -> memref<1x128xi32, #tpu.memory_space<vmem>>
      %dma_wait3A_69 = tpu.memref_squeeze %dma_wait3A_68 : memref<1x128xi32, #tpu.memory_space<vmem>> -> memref<128xi32, #tpu.memory_space<vmem>>
      %dma_wait3A_70 = arith.constant 0 : i32
      %dma_wait3A_71 = arith.constant 0 : i32
      %dma_wait3A_72 = tpu.memref_slice %arg23[%dma_wait3A_70, %dma_wait3A_71] : memref<10240x64xf32, #tpu.memory_space<vmem_shared>> -> memref<10240x64xf32, #tpu.memory_space<vmem_shared>>
      tpu.wait_indirect_dma semaphore(%arg26 : memref<!tpu.dma_semaphore, #tpu.memory_space<semaphore_mem>>) src(%dma_wait3A_66 : memref<128x64xf32, #tpu.memory_space<vmem>>) dst(%dma_wait3A_72 : memref<10240x64xf32, #tpu.memory_space<vmem_shared>>)
      %barrier3A_73 = arith.constant 0 : index
      tpu.barrier barrier_id(%barrier3A_73)
      "tpu.region"() ({
        %run_scoped3A = tpu.sem_alloc : memref<!tpu.dma_semaphore, #tpu.memory_space<semaphore_mem>>
        %dma_start3A_74 = arith.constant 0 : i32
        %dma_start3A_75 = tpu.memref_slice %arg17[%mul3A_0, %dma_start3A_74] : memref<10240x64xf32, #tpu.memory_space<hbm>> -> memref<640x64xf32, #tpu.memory_space<hbm>>
        %dma_start3A_76 = arith.constant 0 : i32
        %dma_start3A_77 = tpu.memref_slice %arg23[%mul3A_0, %dma_start3A_76] : memref<10240x64xf32, #tpu.memory_space<vmem_shared>> -> memref<640x64xf32, #tpu.memory_space<vmem_shared>>
        tpu.enqueue_dma source(%dma_start3A_77 : memref<640x64xf32, #tpu.memory_space<vmem_shared>>) target(%dma_start3A_75 : memref<640x64xf32, #tpu.memory_space<hbm>>) target_semaphore(%run_scoped3A : memref<!tpu.dma_semaphore, #tpu.memory_space<semaphore_mem>>)
        %dma_wait3A_78 = arith.constant 0 : i32
        %dma_wait3A_79 = tpu.memref_slice %arg17[%mul3A_0, %dma_wait3A_78] : memref<10240x64xf32, #tpu.memory_space<hbm>> -> memref<640x64xf32, #tpu.memory_space<hbm>>
        %dma_wait3A_80 = arith.constant 0 : i32
        %dma_wait3A_81 = tpu.memref_slice %arg23[%mul3A_0, %dma_wait3A_80] : memref<10240x64xf32, #tpu.memory_space<vmem_shared>> -> memref<640x64xf32, #tpu.memory_space<vmem_shared>>
        tpu.wait_dma2 semaphore(%run_scoped3A : memref<!tpu.dma_semaphore, #tpu.memory_space<semaphore_mem>>) src(%dma_wait3A_81 : memref<640x64xf32, #tpu.memory_space<vmem_shared>>) dst(%dma_wait3A_79 : memref<640x64xf32, #tpu.memory_space<hbm>>)
        tpu.yield
      }) : () -> ()
    } else {
    }
    return
  }
}

module attributes {stable_mosaic.version = 14 : i64} {
  func.func @_matmul_body(%arg0: memref<10000x256xf32, #tpu.memory_space<vmem>>, %arg1: memref<256x128xf32, #tpu.memory_space<vmem>>, %arg2: memref<10000x128xf32, #tpu.memory_space<vmem>>) attributes {dimension_semantics = [], scalar_prefetch = 0 : i64, scratch_operands = 0 : i64, tpu.core_type = #tpu.core_type<tc>} {
    %get3A = arith.constant 0 : index
    %get3A_0 = arith.constant 0 : index
    %get3A_1 = vector.load %arg0[%get3A, %get3A_0] : memref<10000x256xf32, #tpu.memory_space<vmem>>, vector<10000x256xf32>
    %get3A_2 = arith.constant 0 : index
    %get3A_3 = arith.constant 0 : index
    %get3A_4 = vector.load %arg1[%get3A_2, %get3A_3] : memref<256x128xf32, #tpu.memory_space<vmem>>, vector<256x128xf32>
    %dot_general3A = arith.constant dense<0.000000e+00> : vector<10000x128xf32>
    %dot_general3A_5 = tpu.matmul %get3A_1, %get3A_4, %dot_general3A {dimension_numbers = #tpu.dot_dimension_numbers<[1], [0], [0], [1], [0, 0, 1, 1], [], []>, transpose_lhs_hint = false} : vector<10000x256xf32>, vector<256x128xf32>, vector<10000x128xf32> -> vector<10000x128xf32>
    %swap3A = arith.constant 0 : index
    %swap3A_6 = arith.constant 0 : index
    %swap3A_7 = vector.load %arg2[%swap3A, %swap3A_6] : memref<10000x128xf32, #tpu.memory_space<vmem>>, vector<10000x128xf32>
    tpu.vector_store %arg2[%swap3A, %swap3A_6], %dot_general3A_5 {strides = array<i32>} : memref<10000x128xf32, #tpu.memory_space<vmem>>, vector<10000x128xf32>,
    return
  }
}

module attributes {stable_mosaic.version = 14 : i64} {
  func.func @_div_body(%arg0: i32, %arg1: memref<1000x64xf32, #tpu.memory_space<vmem>>, %arg2: memref<1000x64xf32, #tpu.memory_space<vmem>>, %arg3: memref<1000x8xf32, #tpu.memory_space<vmem>>, %arg4: memref<1000x128xf32, #tpu.memory_space<vmem>>, %arg5: memref<1000x8xf32, #tpu.memory_space<vmem>>) attributes {dimension_semantics = [#tpu.dimension_semantics<arbitrary>], iteration_bounds = array<i64: 10>, scalar_prefetch = 0 : i64, scratch_operands = 0 : i64, tpu.core_type = #tpu.core_type<tc>, window_params = [{transform_indices = @transform_0, window_bounds = array<i64: 1000, 64>}, {transform_indices = @transform_1, window_bounds = array<i64: 1000, 64>}, {transform_indices = @transform_2, window_bounds = array<i64: 1000, 8>}, {transform_indices = @transform_3, window_bounds = array<i64: 1000, 128>}, {transform_indices = @transform_4, window_bounds = array<i64: 1000, 8>}]} {
    %get3A = arith.constant 0 : index
    %get3A_0 = arith.constant 0 : index
    %get3A_1 = vector.load %arg3[%get3A, %get3A_0] : memref<1000x8xf32, #tpu.memory_space<vmem>>, vector<1000x8xf32>
    %max3A = arith.constant 1.000000e+00 : f32
    %max3A_2 = vector.broadcast %max3A : f32 to vector<1000x8xf32>
    %max3A_3 = arith.maximumf %get3A_1, %max3A_2 : vector<1000x8xf32>
    %slice3A = vector.extract_strided_slice %max3A_3 {offsets = [0, 0], sizes = [1000, 1], strides = [1, 1]} : vector<1000x8xf32> to vector<1000x1xf32>
    %div3A = arith.constant 1.000000e+00 : f32
    %div3A_4 = vector.broadcast %div3A : f32 to vector<1000x1xf32>
    %div3A_5 = arith.divf %div3A_4, %slice3A : vector<1000x1xf32>
    %get3A_6 = arith.constant 0 : index
    %get3A_7 = arith.constant 0 : index
    %get3A_8 = vector.load %arg1[%get3A_6, %get3A_7] : memref<1000x64xf32, #tpu.memory_space<vmem>>, vector<1000x64xf32>
    %mul3A = vector.broadcast %div3A_5 : vector<1000x1xf32> to vector<1000x64xf32>
    %mul3A_9 = arith.mulf %get3A_8, %mul3A : vector<1000x64xf32>
    %swap3A = arith.constant 0 : index
    %swap3A_10 = arith.constant 0 : index
    %swap3A_11 = vector.load %arg4[%swap3A, %swap3A_10] : memref<1000x128xf32, #tpu.memory_space<vmem>>, vector<1000x64xf32>
    tpu.vector_store %arg4[%swap3A, %swap3A_10], %mul3A_9 {strides = array<i32>} : memref<1000x128xf32, #tpu.memory_space<vmem>>, vector<1000x64xf32>,
    %get3A_12 = arith.constant 0 : index
    %get3A_13 = arith.constant 0 : index
    %get3A_14 = vector.load %arg2[%get3A_12, %get3A_13] : memref<1000x64xf32, #tpu.memory_space<vmem>>, vector<1000x64xf32>
    %mul3A_15 = vector.broadcast %div3A_5 : vector<1000x1xf32> to vector<1000x64xf32>
    %mul3A_16 = arith.mulf %get3A_14, %mul3A_15 : vector<1000x64xf32>
    %swap3A_17 = arith.constant 0 : index
    %swap3A_18 = arith.constant 64 : index
    %swap3A_19 = vector.load %arg4[%swap3A_17, %swap3A_18] : memref<1000x128xf32, #tpu.memory_space<vmem>>, vector<1000x64xf32>
    tpu.vector_store %arg4[%swap3A_17, %swap3A_18], %mul3A_16 {strides = array<i32>} : memref<1000x128xf32, #tpu.memory_space<vmem>>, vector<1000x64xf32>,
    %swap3A_20 = arith.constant 0 : index
    %swap3A_21 = arith.constant 0 : index
    %swap3A_22 = vector.load %arg5[%swap3A_20, %swap3A_21] : memref<1000x8xf32, #tpu.memory_space<vmem>>, vector<1000x8xf32>
    tpu.vector_store %arg5[%swap3A_20, %swap3A_21], %max3A_3 {strides = array<i32>} : memref<1000x8xf32, #tpu.memory_space<vmem>>, vector<1000x8xf32>,
    return
  }
  func.func @transform_0(%arg0: i32) -> (i32, i32) {
    %c0_i32 = arith.constant 0 : i32
    %c0_i32_0 = arith.constant 0 : i32
    return %arg0, %c0_i32 : i32, i32
  }
  func.func @transform_1(%arg0: i32) -> (i32, i32) {
    %c0_i32 = arith.constant 0 : i32
    %c0_i32_0 = arith.constant 0 : i32
    return %arg0, %c0_i32 : i32, i32
  }
  func.func @transform_2(%arg0: i32) -> (i32, i32) {
    %c0_i32 = arith.constant 0 : i32
    %c0_i32_0 = arith.constant 0 : i32
    return %arg0, %c0_i32 : i32, i32
  }
  func.func @transform_3(%arg0: i32) -> (i32, i32) {
    %c0_i32 = arith.constant 0 : i32
    %c0_i32_0 = arith.constant 0 : i32
    return %arg0, %c0_i32 : i32, i32
  }
  func.func @transform_4(%arg0: i32) -> (i32, i32) {
    %c0_i32 = arith.constant 0 : i32
    %c0_i32_0 = arith.constant 0 : i32
    return %arg0, %c0_i32 : i32, i32
  }
}

</mosaic_0001>

<sc_bundles>
// kernel: kernel.6.cloned.1.call-start
scs
__scs_entry_jumppad:
0x0: {  	(pc) =	sbr.rel $0x88, $3  }
0x1: {  	(tag) =	ssettag $0x0;
	lr =	simm.s32 $0x1  }
0x2: {  	[smem:$0x3F9C] =	sst lr;
	_ =	strace $0xD0000000  }
0x3: {  	_ = 	snop  }
0x4: {  	_ = 	snop  }
0x5: {  	_ = 	snop  }
0x6: {  	_ = 	snop  }
0x7: {  	_ = 	snop  }
__scs_overlays_trampoline_lowered:
0x8: {  	[smem:$0x3FAB] =	sst s0  }
0x9: {  	[smem:$0x3FAC] =	sst s1  }
0xa: {  	[smem:$0x3FAD] =	sst s2  }
0xb: {  	[smem:$0x3FAE] =	sst s3  }
0xc: {  	[smem:$0x3FAF] =	sst s4  }
0xd: {  	[smem:$0x3FB0] =	sst s5  }
0xe: {  	[smem:$0x3FB1] =	sst s6  }
0xf: {  	[smem:$0x3FB2] =	sst s7  }
0x10: {  	[smem:$0x3FB3] =	sst s8  }
0x11: {  	[smem:$0x3FB4] =	sst s9;
	s0 =	simm.s32 @!p0 $0x0  }
0x12: {  	s1 =	sld [smem:$0x3F9A];
	s0 =	simm.s32 @p0 $0x1  }
0x13: {  	[smem:$0x3FB5] =	sst s0;
	s0 =	simm.s32 @!p1 $0x0  }
0x14: {  	s2 =	sld [smem:$0x3F99];
	s0 =	simm.s32 @p1 $0x1  }
0x15: {  	[smem:$0x3FB6] =	sst s0;
	s0 =	simm.s32 @!p2 $0x0  }
0x16: {  	s3 =	sld [smem:$0x3FDB];
	s0 =	simm.s32 @p2 $0x1  }
0x17: {  	s4 =	simm.s32 $0x1BF5;
	[smem:$0x3FB8] =	sst s0  }
0x18: {  	s0 =	sld [smem:$0x3F9B];
	_ =	swait.ge [sflag:s4], $0x0  }
0x19: {  	s7 =	sld [smem:$0x3F9C]  }
0x1a: {  	s8 =	sadd.s32 $0xFFFFE003, lr  }
0x1b: {  	s9 =	sadd.s32 $0xFFFFFEF7, lr;
	s5 =	simm.s32 $0xFFFFFFFF;
	p2 =	slt.u32 s8, $0xFFFFF086  }
0x1c: {  	p1 =	slt.u32 s9, $0xF7A;
	s5 =	simm.s32 @!p2 $0x0  }
0x1d: {  	s5 =	simm.s32 @p1 $0x1;
	p0 =	seq.s32 s7, s2  }
0x1e: {  	s7 =	smul.u32 @!p0 $0xF7A, s2;
	p2 =	seq.s32 @!p0 s5, $0x0  }
0x1f: {  	s9 =	smul.u32 $0xF7A, s1;
	s8 =	simm.s32 @!p0 $0x1BF5;
	p2 =	por !p2, p0  }
0x20: {  	[sflag:s8] =	ssyncset.s32 @!p0 $0xFFFFF086;
	s6 =	sadd.s32 @!p0 s3, s7;
	s7 =	simm.s32 @!p0 $0x108  }
0x21: {  	s3 =	sadd.s32 s3, s9;
	s6 =	sadd.s32 @!p0 $0x88, s6;
	s7 =	simm.s32 @p2 $0x1082  }
0x22: {  	[simem:s7], [sflag:s8] =	dma.local @!p0 [hbm:s6], $0xF7A  }
0x23: {  	s9 =	sor.u32 $0xD0000000, s2;
	s6 =	simm.s32 $0x108;
	_ =	swait.ge @!p0 [sflag:s8], $0x0  }
0x24: {  	s3 =	sadd.s32 $0x88, s3;
	s6 =	simm.s32 @!p1 $0x1082;
	[sflag:s4] =	ssyncset.s32 $0xFFFFF086  }
0x25: {  	[simem:s6], [sflag:s4] =	dma.local [hbm:s3], $0xF7A  }
0x26: {  	[smem:$0x3F9C] =	sst s1;
	(tag) =	ssettag s2;
	_ =	strace s9  }
0x27: {  	s1 =	sld [smem:$0x3FAC]  }
0x28: {  	s2 =	sld [smem:$0x3FAD]  }
0x29: {  	s4 =	sld [smem:$0x3FAF]  }
0x2a: {  	p0 =	seq.s32 s5, $0x0;
	s5 =	sld [smem:$0x3FB0]  }
0x2b: {  	s6 =	sld [smem:$0x3FB1]  }
0x2c: {  	s7 =	sld [smem:$0x3FB2]  }
0x2d: {  	s3 =	simm.s32 $0x108;
	s8 =	sld [smem:$0x3FB3]  }
0x2e: {  	s3 =	simm.s32 @!p0 $0x1082;
	s9 =	sld [smem:$0x3FB4]  }
0x2f: {  	lr =	sadd.s32 s0, s3;
	s0 =	sld [smem:$0x3FAB]  }
0x30: {  	s3 =	sld [smem:$0x3FAE]  }
0x31: {  	[smem:$0x3FB7] =	sst s10  }
0x32: {  	s10 =	sld [smem:$0x3FB5];
	_ =	sdelay $0x3  }
0x33: {  	p0 =	seq.s32 s10, $0x1;
	s10 =	sld [smem:$0x3FB7];
	_ =	sdelay $0x3  }
0x34: {  	[smem:$0x3FB7] =	sst s10  }
0x35: {  	s10 =	sld [smem:$0x3FB6];
	_ =	sdelay $0x3  }
0x36: {  	p1 =	seq.s32 s10, $0x1;
	s10 =	sld [smem:$0x3FB7];
	_ =	sdelay $0x3  }
0x37: {  	[smem:$0x3FB7] =	sst s10  }
0x38: {  	s10 =	sld [smem:$0x3FB8]  }
0x39: {  	_ = 	snop;
	(pc) =	sbr.ind lr, $3  }
0x3a: {  	_ = 	snop  }
0x3b: {  	_ = 	snop  }
0x3c: {  	p2 =	seq.s32 s10, $0x1;
	s10 =	sld [smem:$0x3FB7]  }
0x3d: {  	_ =	shalt  }
0x3e: {  	_ =	shalt  }
0x3f: {  	_ =	shalt  }
0x40: {  	_ =	shalt  }
0x41: {  	_ =	shalt  }
0x42: {  	_ =	shalt  }
0x43: {  	_ =	shalt  }
0x44: {  	_ =	shalt  }
0x45: {  	_ =	shalt  }
0x46: {  	_ =	shalt  }
0x47: {  	_ =	shalt  }
0x48: {  	_ =	shalt  }
0x49: {  	_ =	shalt  }
0x4a: {  	_ =	shalt  }
0x4b: {  	_ =	shalt  }
0x4c: {  	_ =	shalt  }
0x4d: {  	_ =	shalt  }
0x4e: {  	_ =	shalt  }
0x4f: {  	_ =	shalt  }
0x50: {  	_ =	shalt  }
0x51: {  	_ =	shalt  }
0x52: {  	_ =	shalt  }
0x53: {  	_ =	shalt  }
0x54: {  	_ =	shalt  }
0x55: {  	_ =	shalt  }
0x56: {  	_ =	shalt  }
0x57: {  	_ =	shalt  }
0x58: {  	_ =	shalt  }
0x59: {  	_ =	shalt  }
0x5a: {  	_ =	shalt  }
0x5b: {  	_ =	shalt  }
0x5c: {  	_ =	shalt  }
0x5d: {  	_ =	shalt  }
0x5e: {  	_ =	shalt  }
0x5f: {  	_ =	shalt  }
0x60: {  	_ =	shalt  }
0x61: {  	_ =	shalt  }
0x62: {  	_ =	shalt  }
0x63: {  	_ =	shalt  }
0x64: {  	_ =	shalt  }
0x65: {  	_ =	shalt  }
0x66: {  	_ =	shalt  }
0x67: {  	_ =	shalt  }
0x68: {  	_ =	shalt  }
0x69: {  	_ =	shalt  }
0x6a: {  	_ =	shalt  }
0x6b: {  	_ =	shalt  }
0x6c: {  	_ =	shalt  }
0x6d: {  	_ =	shalt  }
0x6e: {  	_ =	shalt  }
0x6f: {  	_ =	shalt  }
0x70: {  	_ =	shalt  }
0x71: {  	_ =	shalt  }
0x72: {  	_ =	shalt  }
0x73: {  	_ =	shalt  }
0x74: {  	_ =	shalt  }
0x75: {  	_ =	shalt  }
0x76: {  	_ =	shalt  }
0x77: {  	_ =	shalt  }
0x78: {  	_ =	shalt  }
0x79: {  	_ =	shalt  }
0x7a: {  	_ =	shalt  }
0x7b: {  	_ =	shalt  }
0x7c: {  	_ =	shalt  }
0x7d: {  	_ =	shalt  }
0x7e: {  	_ =	shalt  }
0x7f: {  	_ =	shalt  }
0x80: {  	_ =	shalt  }
0x81: {  	_ =	shalt  }
0x82: {  	_ =	shalt  }
0x83: {  	_ =	shalt  }
0x84: {  	_ =	shalt  }
0x85: {  	_ =	shalt  }
0x86: {  	_ =	shalt  }
0x87: {  	_ =	shalt  }
.Lfunc_end0:
.L_simem_size_0:
called_computation_lowered:
.L_overlay_start_0:
0x88: {  	s2 =	sld [smem:$0x3FD9]  }
0x89: {  	s3 =	sld [smem:$0x3FFE];
	_ =	sdelay $0x1  }
0x8a: {  	s1 =	srdreg.scid  }
0x8b: {  	s0 =	sand.u32 $0x1, s1  }
0x8c: {  	s14 =	sshll.u32 s0, $0xA;
	s2 =	sadd.s32 s3, s2  }
0x8d: {  	s2 =	sadd.s32 s2, s14  }
0x8e: {  	[smem:$0x3FC3] =	sst s2  }
0x8f: {  	_ = 	snop  }
0x90: {  	s2 =	sld [smem:$0x3FD0];
	_ =	sdelay $0x2  }
0x91: {  	s15 =	simm.s32 $0xA;
	s4 =	simm.s32 $0x10  }
0x92: {  	[smem:s4], [sflag:s15] =	dma.local [hbm:s2], $0x1  }
0x93: {  	_ =	swait.eq [sflag:s15], $0x1  }
0x94: {  	s16 =	sld [smem:$0x10]  }
0x95: {  	s17 =	sld [smem:$0x12];
	[sflag:s15] =	ssyncset.done $0x0  }
0x96: {  	s5 =	sld [smem:$0x13];
	[sflag:s15] =	ssyncadd.s32 $0xFFFFFFFF  }
0x97: {  	s18 =	sld [smem:$0x14];
	(tm) =	ssettm $0x1  }
0x98: {  	s6 =	sld [smem:$0x3FFB];
	_ =	sdelay $0x3  }
0x99: {  	_ =	strace s6  }
0x9a: {  	s6 =	sld [smem:$0x3FFC];
	_ =	sdelay $0x3  }
0x9b: {  	_ =	strace s6  }
0x9c: {  	s6 =	sld [smem:$0x3FFD];
	_ =	sdelay $0x3  }
0x9d: {  	_ =	strace s6  }
0x9e: {  	_ =	strace $0x8FFFFFFF  }
0x9f: {  	s19 =	sld [smem:$0x3FDB];
	_ =	sdelay $0x1  }
0xa0: {  	s7 =	simm.s32 $_scs_section_size  }
0xa1: {  	s8 =	simm.s32 $_size__tile_overlayer_lowered;
	s9 =	simm.s32 $_tile_overlayer_lowered  }
0xa2: {  	s22 =	simm.s32 $0x1BFF;
	s21 =	sshll.u32 s9, $0x1;
	s6 =	sadd.s32 s7, s19  }
0xa3: {  	s10 =	simm.s32 $0x0;
	s20 =	sshll.u32 s8, $0x1;
	s8 =	sadd.s32 s21, s6  }
0xa4: {  	[timem:s10], [sflag:s22] =	dma.local [hbm:s8], s20  }
0xa5: {  	_ =	swait.ge [sflag:s22], s20  }
0xa6: {  	s7 =	ssub.s32 $0x0, s20;
	[sflag:s22] =	ssyncset.done $0x0  }
0xa7: {  	[sflag:s22] =	ssyncadd.s32 s7;
	_ =	sdelay $0x1  }
0xa8: {  	s23 =	simm.s32 $0x1B8B  }
0xa9: {  	_ =	swait.ge [sflag:s23], $0x1  }
0xaa: {  	[sflag:s23] =	ssyncset.done $0x0  }
0xab: {  	s25 =	simm.s32 $0x1B8E;
	s24 =	sld [smem:$0x3FFE];
	[sflag:s23] =	ssyncadd.s32 $0xFFFFFFFF  }
0xac: {  	s26 =	simm.s32 $execute0_lowered;
	[smem:$0x3FD2] =	sst s25  }
0xad: {  	s8 =	sshll.u32 s26, $0x1;
	_ =	strace $0x80000046;
	[dreg:$0x1] =	wrdreg $0xFFFFFFFF  }
0xae: {  	s28 =	simm.s32 $_size_execute0_lowered;
	s6 =	sadd.s32 s6, s8;
	[dreg:$0x0] =	wrdreg $0x0  }
0xaf: {  	s8 =	sshll.u32 s28, $0x1;
	[dreg:$0x2] =	wrdreg s6  }
0xb0: {  	[dreg:$0x3] =	wrdreg s8  }
0xb1: {  	[dreg:$0x4] =	wrdreg $0xC0  }
0xb2: {  	_ =	task [dreg:s10], $0x5FFFF  }
0xb3: {  	[dreg:$0x1] =	wrdreg $0xFFFFFFFF  }
0xb4: {  	[dreg:$0x0] =	wrdreg $0x60  }
0xb5: {  	[dreg:$0x2] =	wrdreg s24  }
0xb6: {  	[dreg:$0x3] =	wrdreg s18  }
0xb7: {  	[dreg:$0x4] =	wrdreg s17  }
0xb8: {  	[dreg:$0x5] =	wrdreg s5  }
0xb9: {  	[dreg:$0x6] =	wrdreg s16  }
0xba: {  	[dreg:$0x7] =	wrdreg $0xD7000  }
0xbb: {  	[dreg:$0x8] =	wrdreg $0x177000  }
0xbc: {  	[dreg:$0x9] =	wrdreg $0x9  }
0xbd: {  	_ =	task.clear_ibuf [dreg:s10], $0xAFFFF;
	_ =	strace $0x90000046  }
0xbe: {  	s29 =	simm.s32 $0x9;
	_ =	strace $0x80000048  }
0xbf: {  	_ =	swait.ge [sflag:s29], $0x1  }
0xc0: {  	[sflag:s29] =	ssyncadd.s32 $0xFFFFFFFF  }
0xc1: {  	_ =	strace $0x90000048  }
0xc2: {  	_ =	sfence  }
0xc3: {  	s30 =	sld [smem:$0x0];
	_ =	sdelay $0x2  }
0xc4: {  	s31 =	sshll.u32 s1, $0xD;
	s1 =	sshrl.u32 s1, $0x2  }
0xc5: {  	s3 =	sand.u32 $0x4000, s31;
	s1 =	sadd.s32 s1, s30  }
0xc6: {  	s0 =	sor.u32 s3, s0;
	s1 =	sshll.u32 s1, $0x11  }
0xc7: {  	s0 =	sor.u32 s1, s0  }
0xc8: {  	s0 =	sadd.s32 $0x8F2B, s0  }
0xc9: {  	[sflag:s0] =	ssyncadd.remote.s32 $0x1  }
0xca: {  	_ =	sfence.sel $0xFFFF  }
0xcb: {  	[dreg:$0x0] =	wrdreg $0xFFFFFFFF;
	(pc) =	sbr.abs _section_cstart, $3  }
0xcc: {  	[dreg:$0x1] =	wrdreg $0xFFFFFFFF  }
0xcd: {  	_ =	task.clear_ibuf [dreg:s10], $0x2FFFF;
	_ =	strace $0x9FFFFFFF  }
0xce: {  	(tm) =	ssettm $0x7FFFFFFF  }
0xcf: {  	_ =	shalt  }
tec
execute0_lowered:
.L_overlay_start_1:
0x0: {  	(tag) =	ssettag $0x1  }
0x1: {  	s0 =	rddreg [dreg:$0x0]  }
0x2: {  	s1 =	rddreg [dreg:$0x1]  }
0x3: {  	s2 =	rddreg [dreg:$0x3]  }
0x4: {  	s3 =	rddreg [dreg:$0x5]  }
0x5: {  	s4 =	rddreg [dreg:$0x6];
	s6 =	simm.s32 $0x0;
	s14 =	stileid.u32  }
0x6: {  	s13 =	srdreg.scid;
	s28 =	simm.s32 $0xD300;
	s29 =	simm.s32 $0x9300  }
0x7: {  	s30 =	simm.s32 $0x1;
	s31 =	simm.s32 $0x80;
	[smem:$0x7FF] =	sst s6  }
0x8: {  	s7 =	sadd.s32 $0x16C00, s0;
	s8 =	sadd.s32 $0x3200, s0;
	s5 =	smul.u32 $0xA000, s14  }
0x9: {  	s9 =	sadd.s32 $0x3E000, s0;
	s10 =	sadd.s32 $0x2A600, s0;
	s12 =	smul.u32 $0x930, s14  }
0xa: {  	s14 =	smul.u32 $0x1400, s14;
	s13 =	sand.u32 $0x1, s13;
	s16 =	sadd.s32 $0x7BA00, s0  }
0xb: {  	_ =	strace $0x80000047;
	s15 =	ssub.s32 $0x2, s13;
	[dreg:$0x8] =	wrdreg s16  }
0xc: {  	p0 =	seq.s32 s13, $0x1;
	s11 =	sshrl.u32 s5, $0x3;
	s12 =	sadd.s32 s12, s0  }
0xd: {  	s26 =	sshrl.u32 s14, $0x3;
	s17 =	sshrl.u32 s15, $0x1;
	s19 =	sadd.s32 s11, s0  }
0xe: {  	s0 =	sadd.s32 s26, s0;
	s20 =	ssub.s32 s15, s17;
	s18 =	sadd.s32 $0x5AE00, s12  }
0xf: {  	s21 =	sadd.s32 $0x64200, s12;
	s15 =	sadd.s32 s5, s3;
	s16 =	sadd.s32 s1, s11  }
0x10: {  	s17 =	sadd.s32 s14, s4;
	s22 =	sadd.s32 s2, s11;
	[dreg:$0x9] =	wrdreg s18  }
0x11: {  	s24 =	sadd.s32 $0x51A00, s12;
	s25 =	sadd.s32 $0x6D600, s12;
	[dreg:$0xa] =	wrdreg s21  }
.Ltmp0:
0x12: {  	s2 =	simm.s32 $0x2;
	[dreg:$0xb] =	wrdreg s22;
	(pc) =	sbr.rel .LBB2_1-.Ltmp0, $4  }
0x13: {  	s1 =	simm.s32 $0x3;
	s18 =	sadd.s32 $0x76A00, s0;
	[dreg:$0xd] =	wrdreg s24  }
0x14: {  	s23 =	sadd.s32 $0xA3A00, s0;
	[dreg:$0xe] =	wrdreg s25;
	s26 =	sadd.s32 $0x8FA00, s19  }
0x15: {  	s24 =	sadd.s32 $0x79200, s0;
	s25 =	smax.u32 s20, $0x1;
	[dreg:$0xc] =	wrdreg s23  }
0x16: {  	s0 =	simm.s32 $0x9280;
	[dreg:$0xf] =	wrdreg s26;
	s26 =	simm.s32 $0x4  }
.LBB2_18:
0x17: {  	s5 =	rddreg [dreg:$0x8]  }
.LBB2_19:
0x18: {  	[spmem:s3] =	stream.indirect.scatter.add.f32 [tilespmem:s19], [sflag:$0x2], $0x40, s0, s31, $0xb8;
	[tilespmem:$0x18B00] =	vst v63  }
0x19: {  	_ =	swait.ge [sflag:s2], $0x2000  }
0x1a: {  	s6 =	sadd.s32 $0x1, s6;
	[sflag:s2] =	ssyncset.done $0x0  }
0x1b: {  	s5 =	sadd.s32 s5, s11;
	p1 =	sne.s32 s6, s25;
	[sflag:s2] =	ssyncadd.s32 $0xFFFFE000  }
.Ltmp1:
0x1c: {  	s13 =	sshrl.u32 s15, $0x3;
	[bflag:$0x0] =	sbarrier.arrive $0xFFFF;
	(pc) =	sbr.rel @!p1 .LBB2_20-.Ltmp1, $4  }
0x1d: {  	[hbm:s5], [sflag:s12] =	dma.local [spmem:s13], $0x1400  }
0x1e: {  	_ =	swait.ge [sflag:s26], $0x1400  }
0x1f: {  	[sflag:s26] =	ssyncset.done $0x0  }
0x20: {  	[sflag:s26] =	ssyncadd.s32 $0xFFFFEC00  }
.LBB2_1:
.Ltmp2:
0x21: {  	(pc) =	sbr.rel @!p0 .LBB2_2-.Ltmp2, $2  }
0x22: {  	_ =	sdelay $0x2  }
0x23: {  	s5 =	simm.s32 $0x0  }
0x24: {  	s12 =	rddreg [dreg:$0xd]  }
0x25: {  	[tilespmem:s5], [sflag:$0x4] =	stream.linear.gather [hbm4b:s12+s5], $0x4980, $0x38;
	[tilespmem:$0x18B00] =	vst v63  }
0x26: {  	_ =	swait.ge [sflag:s26], $0x4980  }
0x27: {  	[sflag:s26] =	ssyncset.done $0x0  }
0x28: {  	s19 =	simm.s32 $0x4980;
	s21 =	rddreg [dreg:$0xe];
	[sflag:s26] =	ssyncadd.s32 $0xFFFFB680  }
0x29: {  	[tilespmem:s19], [sflag:$0x4] =	stream.linear.gather [hbm4b:s21+s5], $0x4980, $0x38;
	[tilespmem:$0x18B00] =	vst v63  }
0x2a: {  	_ =	swait.ge [sflag:s26], $0x4980  }
0x2b: {  	[sflag:s26] =	ssyncset.done $0x0  }
0x2c: {  	[sflag:s26] =	ssyncadd.s32 $0xFFFFB680  }
0x2d: {  	s22 =	rddreg [dreg:$0x2]  }
0x2e: {  	[tilespmem:s28], [sflag:$0x4] =	stream.linear.gather [hbm4b:s22+s5], $0x400, $0x38;
	[tilespmem:$0x18B00] =	vst v63  }
0x2f: {  	s23 =	stileid.u32;
	_ =	swait.ge [sflag:s26], $0x400  }
0x30: {  	s12 =	sshll.u32 s23, $0x6;
	[sflag:s26] =	ssyncset.done $0x0  }
0x31: {  	s13 =	sshrl.u32 s15, $0x3;
	s12 =	sor.u32 $0x1C04, s12;
	[sflag:s26] =	ssyncadd.s32 $0xFFFFFC00  }
0x32: {  	[spmem:s13], [sflag:s12] =	dma.local [hbm:s16], $0x1400  }
0x33: {  	_ =	swait.ge [sflag:s26], $0x1400  }
0x34: {  	[sflag:s26] =	ssyncset.done $0x0  }
0x35: {  	s14 =	sshrl.u32 s17, $0x3;
	[sflag:s26] =	ssyncadd.s32 $0xFFFFEC00  }
0x36: {  	[spmem:s14], [sflag:s12] =	dma.local [hbm:s18], $0x280  }
0x37: {  	_ =	swait.ge [sflag:s26], $0x280  }
0x38: {  	[sflag:s26] =	ssyncset.done $0x0  }
0x39: {  	[sflag:s26] =	ssyncadd.s32 $0xFFFFFD80  }
0x3a: {  	s20 =	simm.s32 $0x80;
	[bflag:$0x0] =	sbarrier.arrive $0xFFFF  }
0x3b: {  	[tilespmem:s29], [sflag:$0x1] =	stream.indirect.gather [hbm4b:s9+s20], $0x40, s5, s20, $0xb8;
	[tilespmem:$0x18B00] =	vst v63  }
.LBB2_12:
0x3c: {  	p1 =	seq.s32 s5, $0x0  }
0x3d: {  	p2 =	seq.s32 @!p1 s5, $0x92  }
0x3e: {  	_ =	swait.ge [sflag:s30], $0x2000;
	p2 =	por p1, !p2  }
.Ltmp3:
0x3f: {  	[sflag:s30] =	ssyncset.done $0x0;
	(pc) =	sbr.rel @!p2 .LBB2_14-.Ltmp3, $4  }
0x40: {  	s23 =	simm.s32 @!p1 $0x2;
	[sflag:s30] =	ssyncadd.s32 $0xFFFFE000  }
0x41: {  	s21 =	sand.u32 $0x1, s5;
	_ =	swait.ge @!p1 [sflag:s23], $0x2000  }
0x42: {  	s22 =	sshll.u32 s21, $0xD;
	[sflag:s23] =	ssyncset.done @!p1 $0x0  }
0x43: {  	s21 =	sor.u32 $0x9300, s22;
	[sflag:s23] =	ssyncadd.s32 @!p1 $0xFFFFE000  }
0x44: {  	s22 =	sxor.u32 $0x2000, s22  }
0x45: {  	s22 =	sor.u32 $0x9300, s22  }
0x46: {  	[tilespmem:s22], [sflag:$0x1] =	stream.indirect.gather [hbm4b:s9+s31], $0x40, s20, s31, $0xb8;
	[tilespmem:$0x18B00] =	vst v63  }
.Ltmp4:
0x47: {  	_ = 	snop;
	(pc) =	sbr.rel .LBB2_12-.Ltmp4, $4  }
0x48: {  	[spmem:s3] =	stream.indirect.scatter.add.f32 [tilespmem:s21], [sflag:$0x2], $0x40, s19, s31, $0xb8;
	[tilespmem:$0x18B00] =	vst v63  }
0x49: {  	_ = 	snop  }
0x4a: {  	[spmem:s4] =	stream.indirect.scatter.add.f32 [tilespmem:s28], [sflag:$0x3], $0x8, s19, s31, $0xb8;
	[tilespmem:$0x18B00] =	vst v63  }
0x4b: {  	s5 =	sadd.s32 $0x1, s5;
	s20 =	sadd.s32 $0x80, s20;
	s19 =	sadd.s32 $0x80, s19  }
.LBB2_2:
0x4c: {  	s12 =	rddreg [dreg:$0x9]  }
0x4d: {  	[tilespmem:s5], [sflag:$0x4] =	stream.linear.gather [hbm4b:s12+s5], $0x4980, $0x38;
	[tilespmem:$0x18B00] =	vst v63  }
0x4e: {  	_ =	swait.ge [sflag:s26], $0x4980  }
0x4f: {  	[sflag:s26] =	ssyncset.done $0x0  }
0x50: {  	s19 =	simm.s32 $0x4980;
	s21 =	rddreg [dreg:$0xa];
	[sflag:s26] =	ssyncadd.s32 $0xFFFFB680  }
0x51: {  	[tilespmem:s19], [sflag:$0x4] =	stream.linear.gather [hbm4b:s21+s5], $0x4980, $0x38;
	[tilespmem:$0x18B00] =	vst v63  }
0x52: {  	_ =	swait.ge [sflag:s26], $0x4980  }
0x53: {  	[sflag:s26] =	ssyncset.done $0x0  }
0x54: {  	[sflag:s26] =	ssyncadd.s32 $0xFFFFB680  }
0x55: {  	s22 =	rddreg [dreg:$0x2]  }
0x56: {  	[tilespmem:s28], [sflag:$0x4] =	stream.linear.gather [hbm4b:s22+s5], $0x400, $0x38;
	[tilespmem:$0x18B00] =	vst v63  }
0x57: {  	s23 =	stileid.u32;
	_ =	swait.ge [sflag:s26], $0x400  }
0x58: {  	s12 =	sshll.u32 s23, $0x6;
	[sflag:s26] =	ssyncset.done $0x0  }
0x59: {  	s13 =	sshrl.u32 s15, $0x3;
	s12 =	sor.u32 $0x1C04, s12;
	[sflag:s26] =	ssyncadd.s32 $0xFFFFFC00  }
0x5a: {  	[spmem:s13], [sflag:s12] =	dma.local [hbm:s16], $0x1400  }
0x5b: {  	_ =	swait.ge [sflag:s26], $0x1400  }
0x5c: {  	[sflag:s26] =	ssyncset.done $0x0  }
0x5d: {  	s14 =	sshrl.u32 s17, $0x3;
	[sflag:s26] =	ssyncadd.s32 $0xFFFFEC00  }
0x5e: {  	[spmem:s14], [sflag:s12] =	dma.local [hbm:s18], $0x280  }
0x5f: {  	_ =	swait.ge [sflag:s26], $0x280  }
0x60: {  	[sflag:s26] =	ssyncset.done $0x0  }
0x61: {  	[sflag:s26] =	ssyncadd.s32 $0xFFFFFD80  }
0x62: {  	s20 =	simm.s32 $0x80;
	[bflag:$0x0] =	sbarrier.arrive $0xFFFF  }
0x63: {  	[tilespmem:s29], [sflag:$0x1] =	stream.indirect.gather [hbm4b:s7+s20], $0x40, s5, s20, $0xb8;
	[tilespmem:$0x18B00] =	vst v63  }
.LBB2_3:
0x64: {  	p1 =	seq.s32 s5, $0x0  }
0x65: {  	p2 =	seq.s32 @!p1 s5, $0x92  }
0x66: {  	_ =	swait.ge [sflag:s30], $0x2000;
	p2 =	por p1, !p2  }
.Ltmp5:
0x67: {  	[sflag:s30] =	ssyncset.done $0x0;
	(pc) =	sbr.rel @!p2 .LBB2_5-.Ltmp5, $4  }
0x68: {  	s23 =	simm.s32 @!p1 $0x2;
	[sflag:s30] =	ssyncadd.s32 $0xFFFFE000  }
0x69: {  	s21 =	sand.u32 $0x1, s5;
	_ =	swait.ge @!p1 [sflag:s23], $0x2000  }
0x6a: {  	s22 =	sshll.u32 s21, $0xD;
	[sflag:s23] =	ssyncset.done @!p1 $0x0  }
0x6b: {  	s21 =	sor.u32 $0x9300, s22;
	[sflag:s23] =	ssyncadd.s32 @!p1 $0xFFFFE000  }
0x6c: {  	s22 =	sxor.u32 $0x2000, s22  }
0x6d: {  	s22 =	sor.u32 $0x9300, s22  }
0x6e: {  	[tilespmem:s22], [sflag:$0x1] =	stream.indirect.gather [hbm4b:s7+s31], $0x40, s20, s31, $0xb8;
	[tilespmem:$0x18B00] =	vst v63  }
.Ltmp6:
0x6f: {  	_ = 	snop;
	(pc) =	sbr.rel .LBB2_3-.Ltmp6, $4  }
0x70: {  	[spmem:s3] =	stream.indirect.scatter.add.f32 [tilespmem:s21], [sflag:$0x2], $0x40, s19, s31, $0xb8;
	[tilespmem:$0x18B00] =	vst v63  }
0x71: {  	_ = 	snop  }
0x72: {  	[spmem:s4] =	stream.indirect.scatter.add.f32 [tilespmem:s28], [sflag:$0x3], $0x8, s19, s31, $0xb8;
	[tilespmem:$0x18B00] =	vst v63  }
0x73: {  	s5 =	sadd.s32 $0x1, s5;
	s20 =	sadd.s32 $0x80, s20;
	s19 =	sadd.s32 $0x80, s19  }
.LBB2_14:
0x74: {  	[spmem:s3] =	stream.indirect.scatter.add.f32 [tilespmem:s21], [sflag:$0x2], $0x40, s0, s31, $0xb8;
	[tilespmem:$0x18B00] =	vst v63  }
0x75: {  	_ = 	snop  }
0x76: {  	[spmem:s4] =	stream.indirect.scatter.add.f32 [tilespmem:s28], [sflag:$0x3], $0x8, s0, s31, $0xb8;
	[tilespmem:$0x18B00] =	vst v63  }
0x77: {  	_ =	swait.ge [sflag:s2], $0x2000  }
0x78: {  	[sflag:s2] =	ssyncset.done $0x0  }
0x79: {  	[sflag:s2] =	ssyncadd.s32 $0xFFFFE000  }
0x7a: {  	_ =	swait.ge [sflag:s1], $0x400  }
0x7b: {  	s5 =	simm.s32 $0x92;
	[sflag:s1] =	ssyncset.done $0x0  }
.LBB2_15:
0x7c: {  	p1 =	sne.s32 s5, $0x1;
	s5 =	sadd.s32 $0xFFFFFFFF, s5;
	[sflag:s1] =	ssyncadd.s32 $0xFFFFFC00  }
.Ltmp7:
0x7d: {  	(pc) =	sbr.rel @p1 .LBB2_15-.Ltmp7, $3  }
0x7e: {  	_ =	sdelay $0x1  }
0x7f: {  	_ =	swait.ge [sflag:s1], $0x400  }
0x80: {  	[sflag:s1] =	ssyncset.done $0x0  }
0x81: {  	[sflag:s1] =	ssyncadd.s32 $0xFFFFFC00  }
0x82: {  	[bflag:$0x0] =	sbarrier.arrive $0xFFFF  }
0x83: {  	s5 =	rddreg [dreg:$0xf]  }
0x84: {  	[hbm:s5], [sflag:s12] =	dma.local [spmem:s13], $0x1400  }
0x85: {  	_ =	swait.ge [sflag:s26], $0x1400  }
0x86: {  	[sflag:s26] =	ssyncset.done $0x0  }
0x87: {  	[sflag:s26] =	ssyncadd.s32 $0xFFFFEC00  }
0x88: {  	[hbm:s24], [sflag:s12] =	dma.local [spmem:s14], $0x280  }
0x89: {  	_ =	swait.ge [sflag:s26], $0x280  }
0x8a: {  	[sflag:s26] =	ssyncset.done $0x0  }
0x8b: {  	[sflag:s26] =	ssyncadd.s32 $0xFFFFFD80  }
0x8c: {  	[spmem:s13], [sflag:s12] =	dma.local [hbm:s16], $0x1400  }
0x8d: {  	_ =	swait.ge [sflag:s26], $0x1400  }
0x8e: {  	[sflag:s26] =	ssyncset.done $0x0  }
0x8f: {  	s5 =	simm.s32 $0x80;
	[sflag:s26] =	ssyncadd.s32 $0xFFFFEC00  }
0x90: {  	s14 =	simm.s32 $0x4980;
	s13 =	simm.s32 $0x0;
	[bflag:$0x0] =	sbarrier.arrive $0xFFFF  }
0x91: {  	[tilespmem:s29], [sflag:$0x1] =	stream.indirect.gather [hbm4b:s10+s5], $0x40, s13, s5, $0xb8;
	[tilespmem:$0x18B00] =	vst v63  }
.LBB2_17:
0x92: {  	p1 =	seq.s32 s13, $0x0  }
0x93: {  	p2 =	seq.s32 @!p1 s13, $0x92  }
0x94: {  	_ =	swait.ge [sflag:s30], $0x2000;
	p2 =	por p1, !p2  }
.Ltmp8:
0x95: {  	[sflag:s30] =	ssyncset.done $0x0;
	(pc) =	sbr.rel @!p2 .LBB2_18-.Ltmp8, $4  }
0x96: {  	s21 =	simm.s32 @!p1 $0x2;
	[sflag:s30] =	ssyncadd.s32 $0xFFFFE000  }
0x97: {  	s19 =	sand.u32 $0x1, s13;
	_ =	swait.ge @!p1 [sflag:s21], $0x2000  }
0x98: {  	s20 =	sshll.u32 s19, $0xD;
	[sflag:s21] =	ssyncset.done @!p1 $0x0  }
0x99: {  	s19 =	sor.u32 $0x9300, s20;
	[sflag:s21] =	ssyncadd.s32 @!p1 $0xFFFFE000  }
0x9a: {  	s20 =	sxor.u32 $0x2000, s20  }
.Ltmp9:
0x9b: {  	s20 =	sor.u32 $0x9300, s20;
	(pc) =	sbr.rel .LBB2_17-.Ltmp9, $4  }
0x9c: {  	[tilespmem:s20], [sflag:$0x1] =	stream.indirect.gather [hbm4b:s10+s31], $0x40, s5, s31, $0xb8;
	[tilespmem:$0x18B00] =	vst v63  }
0x9d: {  	_ = 	snop  }
0x9e: {  	[spmem:s3] =	stream.indirect.scatter.add.f32 [tilespmem:s19], [sflag:$0x2], $0x40, s14, s31, $0xb8;
	[tilespmem:$0x18B00] =	vst v63  }
0x9f: {  	s13 =	sadd.s32 $0x1, s13;
	s5 =	sadd.s32 $0x80, s5;
	s14 =	sadd.s32 $0x80, s14  }
.LBB2_5:
0xa0: {  	[spmem:s3] =	stream.indirect.scatter.add.f32 [tilespmem:s21], [sflag:$0x2], $0x40, s0, s31, $0xb8;
	[tilespmem:$0x18B00] =	vst v63  }
0xa1: {  	_ = 	snop  }
0xa2: {  	[spmem:s4] =	stream.indirect.scatter.add.f32 [tilespmem:s28], [sflag:$0x3], $0x8, s0, s31, $0xb8;
	[tilespmem:$0x18B00] =	vst v63  }
0xa3: {  	_ =	swait.ge [sflag:s2], $0x2000  }
0xa4: {  	[sflag:s2] =	ssyncset.done $0x0  }
0xa5: {  	[sflag:s2] =	ssyncadd.s32 $0xFFFFE000  }
0xa6: {  	_ =	swait.ge [sflag:s1], $0x400  }
0xa7: {  	s5 =	simm.s32 $0x92;
	[sflag:s1] =	ssyncset.done $0x0  }
.LBB2_6:
0xa8: {  	p1 =	sne.s32 s5, $0x1;
	s5 =	sadd.s32 $0xFFFFFFFF, s5;
	[sflag:s1] =	ssyncadd.s32 $0xFFFFFC00  }
.Ltmp10:
0xa9: {  	(pc) =	sbr.rel @p1 .LBB2_6-.Ltmp10, $3  }
0xaa: {  	_ =	sdelay $0x1  }
0xab: {  	_ =	swait.ge [sflag:s1], $0x400  }
0xac: {  	[sflag:s1] =	ssyncset.done $0x0  }
0xad: {  	[sflag:s1] =	ssyncadd.s32 $0xFFFFFC00  }
0xae: {  	[bflag:$0x0] =	sbarrier.arrive $0xFFFF  }
0xaf: {  	s5 =	rddreg [dreg:$0xb]  }
0xb0: {  	[hbm:s5], [sflag:s12] =	dma.local [spmem:s13], $0x1400  }
0xb1: {  	_ =	swait.ge [sflag:s26], $0x1400  }
0xb2: {  	[sflag:s26] =	ssyncset.done $0x0  }
0xb3: {  	s23 =	rddreg [dreg:$0xc];
	[sflag:s26] =	ssyncadd.s32 $0xFFFFEC00  }
0xb4: {  	[hbm:s23], [sflag:s12] =	dma.local [spmem:s14], $0x280  }
0xb5: {  	_ =	swait.ge [sflag:s26], $0x280  }
0xb6: {  	[sflag:s26] =	ssyncset.done $0x0  }
0xb7: {  	[sflag:s26] =	ssyncadd.s32 $0xFFFFFD80  }
0xb8: {  	[spmem:s13], [sflag:s12] =	dma.local [hbm:s16], $0x1400  }
0xb9: {  	_ =	swait.ge [sflag:s26], $0x1400  }
0xba: {  	[sflag:s26] =	ssyncset.done $0x0  }
0xbb: {  	s5 =	simm.s32 $0x80;
	[sflag:s26] =	ssyncadd.s32 $0xFFFFEC00  }
0xbc: {  	s14 =	simm.s32 $0x4980;
	s13 =	simm.s32 $0x0;
	[bflag:$0x0] =	sbarrier.arrive $0xFFFF  }
0xbd: {  	[tilespmem:s29], [sflag:$0x1] =	stream.indirect.gather [hbm4b:s8+s5], $0x40, s13, s5, $0xb8;
	[tilespmem:$0x18B00] =	vst v63  }
.LBB2_8:
0xbe: {  	p1 =	seq.s32 s13, $0x0  }
0xbf: {  	p2 =	seq.s32 @!p1 s13, $0x92  }
0xc0: {  	_ =	swait.ge [sflag:s30], $0x2000;
	p2 =	por p1, !p2  }
.Ltmp11:
0xc1: {  	[sflag:s30] =	ssyncset.done $0x0;
	(pc) =	sbr.rel @!p2 .LBB2_9-.Ltmp11, $4  }
0xc2: {  	s21 =	simm.s32 @!p1 $0x2;
	[sflag:s30] =	ssyncadd.s32 $0xFFFFE000  }
0xc3: {  	s19 =	sand.u32 $0x1, s13;
	_ =	swait.ge @!p1 [sflag:s21], $0x2000  }
0xc4: {  	s20 =	sshll.u32 s19, $0xD;
	[sflag:s21] =	ssyncset.done @!p1 $0x0  }
0xc5: {  	s19 =	sor.u32 $0x9300, s20;
	[sflag:s21] =	ssyncadd.s32 @!p1 $0xFFFFE000  }
0xc6: {  	s20 =	sxor.u32 $0x2000, s20  }
.Ltmp12:
0xc7: {  	s20 =	sor.u32 $0x9300, s20;
	(pc) =	sbr.rel .LBB2_8-.Ltmp12, $4  }
0xc8: {  	[tilespmem:s20], [sflag:$0x1] =	stream.indirect.gather [hbm4b:s8+s31], $0x40, s5, s31, $0xb8;
	[tilespmem:$0x18B00] =	vst v63  }
0xc9: {  	_ = 	snop  }
0xca: {  	[spmem:s3] =	stream.indirect.scatter.add.f32 [tilespmem:s19], [sflag:$0x2], $0x40, s14, s31, $0xb8;
	[tilespmem:$0x18B00] =	vst v63  }
0xcb: {  	s13 =	sadd.s32 $0x1, s13;
	s5 =	sadd.s32 $0x80, s5;
	s14 =	sadd.s32 $0x80, s14  }
.LBB2_9:
.Ltmp13:
0xcc: {  	(pc) =	sbr.rel .LBB2_19-.Ltmp13, $2  }
0xcd: {  	_ =	sdelay $0x2  }
0xce: {  	s5 =	rddreg [dreg:$0x4]  }
.LBB2_20:
0xcf: {  	_ =	sfence.sel $0x180000  }
0xd0: {  	[bflag:$0x0] =	sbarrier.arrive $0xFFFF  }
0xd1: {  	_ =	strace $0x90000047  }
0xd2: {  	s0 =	stileid.u32;
	[bflag:$0x2] =	sbarrier.arrive $0xFFFF  }
0xd3: {  	p0 =	sne.s32 s0, $0x0;
	s0 =	rddreg [dreg:$0x7]  }
0xd4: {  	s0 =	sadd.s32 @!p0 $0x100000, s0  }
0xd5: {  	[sflag:s0] =	ssyncadd.tile.s32 @!p0 $0x1;
	_ =	shalt  }
.Lfunc_end2:
_tile_overlayer_lowered:
.L_overlay_start_2:
0xd6: {  	(tag) =	ssettag $0x2  }
0xd7: {  	s0 =	rddreg [dreg:$0x0];
	s2 =	stileid.u32  }
0xd8: {  	s1 =	rddreg [dreg:$0x1];
	p0 =	sne.s32 s2, $0x0  }
0xd9: {  	s3 =	rddreg [dreg:$0x2];
	[bflag:$0x3] =	sbarrier.arrive $0xFFFF;
	s2 =	simm.s32 @!p0 $0x1C04  }
0xda: {  	[timem:s3], [sflag:s2] =	dma.local @!p0 [hbm:s0], s1  }
0xdb: {  	s0 =	simm.s32 @!p0 $0x4  }
0xdc: {  	_ =	swait.ge @!p0 [sflag:s0], s1  }
0xdd: {  	s1 =	ssub.s32 @!p0 $0x0, s1;
	[sflag:s0] =	ssyncset.done @!p0 $0x0  }
0xde: {  	[sflag:s0] =	ssyncadd.s32 @!p0 s1  }
0xdf: {  	[bflag:$0x3] =	sbarrier.arrive $0xFFFF  }
0xe0: {  	_ =	shalt  }

</sc_bundles>
